<compile_context>
chip_gen: v7x
topology: tpu7x:2x2x1
jax: 0.10.2.dev20260603
libtpu: 0.0.44.dev20260713+nightly
codegen_flags: <defaults>
</compile_context>

<pallas_src>
import jax
import jax.numpy as jnp
from jax import lax
from jax.experimental import pallas as pl
from jax.experimental.pallas import tpu as pltpu
from jax.experimental.pallas import tpu_sc as plsc

N = 320000
D = 128
S = 10000

NC = 2
NS = 16
NW = NC * NS
CHUNK = N // NW
SP = 10240
SLICE = SP // NS
L = 16

BROWS = 16000
BQ = BROWS // 4
NB = N // BROWS


def _tc_body(x_ref, w_ref, o_ref):
    x = x_ref[...]
    wv = w_ref[...]
    z = lax.dot_general(wv, x, dimension_numbers=(((1,), (1,)), ((), ())),
                        preferred_element_type=jnp.float32)
    o_ref[0] = jnp.exp(z)


NA = 256000
NBLK_A = NA // BROWS
NBLK_B = (N - NA) // BROWS
CH_A = NA // NW
CH_B = (N - NA) // NW


def _make_sums_body(chunk, ids_base):
    def body(y_hbm, ids_hbm, partial_hbm, ids_v, y_v, sums_v,
             spmem_all, tmp_v, acc_v, sem1, sem2):
        c = lax.axis_index("c")
        s = lax.axis_index("s")
        w = c * NS + s
        base = w * chunk
        d1 = pltpu.async_copy(
            ids_hbm.at[pl.ds(ids_base + base, chunk)], ids_v, sem1)
        d2 = pltpu.async_copy(y_hbm.at[pl.ds(base, chunk)], y_v, sem2)

        @plsc.parallel_loop(0, SP // L, unroll=4)
        def _zero(i):
            off = pl.multiple_of(i * L, L)
            sums_v[pl.ds(off, L)] = jnp.zeros((L,), jnp.float32)

        d1.wait()
        d2.wait()
        UN = 5

        def scat_body(i, carry):
            base_off = pl.multiple_of(i * (L * UN), L)
            for k in range(UN):
                off = base_off + k * L
                ids16 = ids_v[pl.ds(off, L)]
                y16 = y_v[pl.ds(off, L)]
                plsc.addupdate_scatter(sums_v, [ids16], y16)
            return carry
        lax.fori_loop(0, chunk // (L * UN), scat_body, 0)

        pltpu.sync_copy(sums_v, spmem_all.at[s])
        plsc.subcore_barrier()

        seg0 = pl.multiple_of(s * SLICE, L)
        pltpu.sync_copy(spmem_all.at[:, pl.ds(seg0, SLICE)], tmp_v)

        @plsc.parallel_loop(0, SLICE // L, unroll=2)
        def _combine(i):
            off = pl.multiple_of(i * L, L)
            acc = tmp_v[0, pl.ds(off, L)]
            for t in range(1, NS):
                acc = acc + tmp_v[t, pl.ds(off, L)]
            acc_v[pl.ds(off, L)] = acc

        pltpu.sync_copy(acc_v, partial_hbm.at[c, pl.ds(seg0, SLICE)])
    return body


CH_B2 = (N - NA) // NS
W_SPLIT = NA // CHUNK
REM_A = NA - W_SPLIT * CHUNK


def _fused_b_body(ya_hbm, yb_hbm, ids_hbm, pa_hbm, out_hbm,
                  ids_v, y_v, sums_v, spmem_all, spmem_final, tmp_v, acc_v,
                  pa_v, p0_v, nids_v, ny_v, out_v,
                  sem1, sem2, sem3, sem4):
    c = lax.axis_index("c")
    s = lax.axis_index("s")
    w = c * NS + s
    sbase = s * CH_B2
    nbase = w * CHUNK
    d1 = pltpu.async_copy(ids_hbm.at[pl.ds(NA + sbase, CH_B2)], ids_v, sem1)
    d2 = pltpu.async_copy(yb_hbm.at[pl.ds(sbase, CH_B2)], y_v, sem2)
    d3 = pltpu.async_copy(ids_hbm.at[pl.ds(nbase, CHUNK)], nids_v, sem3)
    d4 = pltpu.async_copy(pa_hbm, pa_v, sem4)

    @plsc.parallel_loop(0, SP // L, unroll=4)
    def _zero(i):
        off = pl.multiple_of(i * L, L)
        sums_v[pl.ds(off, L)] = jnp.zeros((L,), jnp.float32)

    d1.wait()
    d2.wait()
    UN = 5

    def scat_body(i, carry):
        base_off = pl.multiple_of(i * (L * UN), L)
        for k in range(UN):
            off = base_off + k * L
            ids16 = ids_v[pl.ds(off, L)]
            y16 = y_v[pl.ds(off, L)]
            plsc.addupdate_scatter(sums_v, [ids16], y16)
        return carry
    lax.fori_loop(0, CH_B2 // (L * UN), scat_body, 0)

    pltpu.sync_copy(sums_v, spmem_all.at[s])
    plsc.subcore_barrier()

    seg0 = pl.multiple_of(s * SLICE, L)
    pltpu.sync_copy(spmem_all.at[:, pl.ds(seg0, SLICE)], tmp_v)

    @plsc.parallel_loop(0, SLICE // L, unroll=2)
    def _combine(i):
        off = pl.multiple_of(i * L, L)
        acc = tmp_v[0, pl.ds(off, L)]
        for t in range(1, NS):
            acc = acc + tmp_v[t, pl.ds(off, L)]
        acc_v[pl.ds(off, L)] = acc

    pltpu.sync_copy(acc_v, spmem_final.at[pl.ds(seg0, SLICE)])
    plsc.subcore_barrier()
    pltpu.sync_copy(spmem_final, sums_v)

    d4.wait()

    @plsc.parallel_loop(0, SP // L, unroll=4)
    def _padd(i):
        off = pl.multiple_of(i * L, L)
        p0_v[pl.ds(off, L)] = (
            (pa_v[0, pl.ds(off, L)] + pa_v[1, pl.ds(off, L)])
            + sums_v[pl.ds(off, L)])

    d3.wait()

    @pl.when(w < W_SPLIT)
    def _():
        pltpu.sync_copy(ya_hbm.at[pl.ds(nbase, CHUNK)], ny_v)

    @pl.when(w == W_SPLIT)
    def _():
        pltpu.sync_copy(ya_hbm.at[pl.ds(W_SPLIT * CHUNK, REM_A)],
                        ny_v.at[pl.ds(0, REM_A)])
        pltpu.sync_copy(yb_hbm.at[pl.ds(0, CHUNK - REM_A)],
                        ny_v.at[pl.ds(REM_A, CHUNK - REM_A)])

    @pl.when(w > W_SPLIT)
    def _():
        pltpu.sync_copy(yb_hbm.at[pl.ds(nbase - NA, CHUNK)], ny_v)

    @plsc.parallel_loop(0, CHUNK // L, unroll=4)
    def _norm(i):
        off = pl.multiple_of(i * L, L)
        ids16 = nids_v[pl.ds(off, L)]
        denom = plsc.load_gather(p0_v, [ids16])
        out_v[pl.ds(off, L)] = ny_v[pl.ds(off, L)] / denom

    pltpu.sync_copy(out_v, out_hbm.at[pl.ds(nbase, CHUNK)])


_SC_KERNELS = None


def _sc_kernels():
    global _SC_KERNELS
    if _SC_KERNELS is None:
        mesh = plsc.VectorSubcoreMesh(
            core_axis_name="c", subcore_axis_name="s",
            num_cores=NC, num_subcores=NS)
        sc_params = pltpu.CompilerParams(needs_layout_passes=False)

        def make_sums(chunk, ids_base):
            return pl.kernel(
                _make_sums_body(chunk, ids_base),
                out_type=jax.ShapeDtypeStruct((NC, SP), jnp.float32),
                mesh=mesh,
                compiler_params=sc_params,
                scratch_types=[
                    pltpu.VMEM((chunk,), jnp.int32),
                    pltpu.VMEM((chunk,), jnp.float32),
                    pltpu.VMEM((SP,), jnp.float32),
                    pltpu.VMEM_SHARED((NS, SP), jnp.float32),
                    pltpu.VMEM((NS, SLICE), jnp.float32),
                    pltpu.VMEM((SLICE,), jnp.float32),
                    pltpu.SemaphoreType.DMA,
                    pltpu.SemaphoreType.DMA,
                ],
            )
        sums_a = make_sums(CH_A, 0)
        fused_b = pl.kernel(
            _fused_b_body,
            out_type=jax.ShapeDtypeStruct((N,), jnp.float32),
            mesh=mesh,
            compiler_params=sc_params,
            scratch_types=[
                pltpu.VMEM((CH_B2,), jnp.int32),
                pltpu.VMEM((CH_B2,), jnp.float32),
                pltpu.VMEM((SP,), jnp.float32),
                pltpu.VMEM_SHARED((NS, SP), jnp.float32),
                pltpu.VMEM_SHARED((SP,), jnp.float32),
                pltpu.VMEM((NS, SLICE), jnp.float32),
                pltpu.VMEM((SLICE,), jnp.float32),
                pltpu.VMEM((NC, SP), jnp.float32),
                pltpu.VMEM((SP,), jnp.float32),
                pltpu.VMEM((CHUNK,), jnp.int32),
                pltpu.VMEM((CHUNK,), jnp.float32),
                pltpu.VMEM((CHUNK,), jnp.float32),
                pltpu.SemaphoreType.DMA,
                pltpu.SemaphoreType.DMA,
                pltpu.SemaphoreType.DMA,
                pltpu.SemaphoreType.DMA,
            ],
        )
        _SC_KERNELS = (sums_a, fused_b)
    return _SC_KERNELS

def _make_tc_call(nblocks, block_off):
    return pl.pallas_call(
        _tc_body,
        grid=(nblocks,),
        in_specs=[
            pl.BlockSpec((BROWS, D), lambda i: (i + block_off, 0)),
            pl.BlockSpec((1, D), lambda i: (0, 0)),
        ],
        out_specs=pl.BlockSpec((1, 1, BROWS), lambda i: (i, 0, 0)),
        out_shape=jax.ShapeDtypeStruct((nblocks, 1, BROWS), jnp.float32),
        compiler_params=pltpu.CompilerParams(
            dimension_semantics=("parallel",)),
    )


_tc_call_a = _make_tc_call(NBLK_A, 0)
_tc_call_b = _make_tc_call(NBLK_B, NBLK_A)


def kernel(X, segment_ids, W, b):
    del b
    sums_a, fused_b = _sc_kernels()
    ids = segment_ids.astype(jnp.int32)
    ya = _tc_call_a(X, W).reshape(NA)
    yb = _tc_call_b(X, W).reshape(N - NA)
    pa = sums_a(ya, ids)
    out = fused_b(ya, yb, ids, pa)
    return out.reshape(N, 1)

# --- scband reference (transcript-rebuilt; emitter-appended) ---
"""Pipeline reference for scband-conditional-logistic-regression-32366873542997 (READ-ONLY COPY).

The authoritative reference and input builder live on the scoring server;
editing this copy changes nothing except your own understanding.
"""

import jax, jax.numpy as jnp
import numpy as np

N = 320000
D = 128
S = 10000

def setup_inputs(seed: int = 0) -> dict:
    key = jax.random.key(seed)
    k1, k2, k3, k4 = jax.random.split(key, 4)
    X = jax.random.normal(k1, (N, D), dtype=jnp.float32)
    segment_ids = jnp.sort(jax.random.randint(k2, (N,), 0, S))
    # learned params of the internal torch.nn.Linear(D, 1, bias=True)
    W = jax.random.normal(k3, (1, D), dtype=jnp.float32) * 0.05
    b = jnp.zeros((1,), dtype=jnp.float32)
    return {"X": X, "segment_ids": segment_ids, "W": W, "b": b}

def reference(X, segment_ids, W, b):
    # y_hat = exp(linear(X))
    y_hat = jnp.exp(X @ W.T + b)  # [N, 1]
    # per-stratum sum of y_hat (the torch loop over strata slices == segment_sum
    # over sorted contiguous segment ids), broadcast back to each row
    sums = jax.ops.segment_sum(y_hat, segment_ids, num_segments=S)  # [S, 1]
    y_hat_sum = jnp.take(sums, segment_ids, axis=0)  # [N, 1]
    return y_hat / y_hat_sum

if __name__ == "__main__":
    import jax
    _d = setup_inputs()
    print(jax.jit(kernel)(*tuple(_d.values())))

</pallas_src>

<mosaic_0001>
#map = affine_map<(d0, d1) -> (0)>
#map1 = affine_map<(d0, d1) -> (0, 0)>
module attributes {stable_mosaic.version = 14 : i64} {
  func.func @_fused_b_body(%arg0: i32, %arg1: i32, %arg2: memref<256000xf32, #tpu.memory_space<hbm>>, %arg3: memref<64000xf32, #tpu.memory_space<hbm>>, %arg4: memref<320000xi32, #tpu.memory_space<hbm>>, %arg5: memref<2x10240xf32, #tpu.memory_space<hbm>>, %arg6: memref<320000xf32, #tpu.memory_space<hbm>>, %arg7: memref<4000xi32, #tpu.memory_space<vmem>>, %arg8: memref<4000xf32, #tpu.memory_space<vmem>>, %arg9: memref<10240xf32, #tpu.memory_space<vmem>>, %arg10: memref<16x10240xf32, #tpu.memory_space<vmem_shared>>, %arg11: memref<10240xf32, #tpu.memory_space<vmem_shared>>, %arg12: memref<16x640xf32, #tpu.memory_space<vmem>>, %arg13: memref<640xf32, #tpu.memory_space<vmem>>, %arg14: memref<2x10240xf32, #tpu.memory_space<vmem>>, %arg15: memref<10240xf32, #tpu.memory_space<vmem>>, %arg16: memref<10000xi32, #tpu.memory_space<vmem>>, %arg17: memref<10000xf32, #tpu.memory_space<vmem>>, %arg18: memref<10000xf32, #tpu.memory_space<vmem>>, %arg19: memref<!tpu.dma_semaphore, #tpu.memory_space<semaphore_mem>>, %arg20: memref<!tpu.dma_semaphore, #tpu.memory_space<semaphore_mem>>, %arg21: memref<!tpu.dma_semaphore, #tpu.memory_space<semaphore_mem>>, %arg22: memref<!tpu.dma_semaphore, #tpu.memory_space<semaphore_mem>>) attributes {dimension_semantics = [#tpu.dimension_semantics<core_parallel>, #tpu.dimension_semantics<subcore_parallel>], iteration_bounds = array<i64: 2, 16>, scalar_prefetch = 0 : i64, scratch_operands = 16 : i64, tpu.core_type = #tpu.core_type<sc_vector_subcore>, window_params = [{transform_indices = #map}, {transform_indices = #map}, {transform_indices = #map}, {transform_indices = #map1}, {transform_indices = #map}]} {
    %mul3A = arith.constant 16 : i32
    %mul3A_0 = arith.muli %arg0, %mul3A : i32
    %add3A = arith.addi %mul3A_0, %arg1 : i32
    %mul3A_1 = arith.constant 4000 : i32
    %mul3A_2 = arith.muli %arg1, %mul3A_1 : i32
    %mul3A_3 = arith.constant 10000 : i32
    %mul3A_4 = arith.muli %add3A, %mul3A_3 : i32
    %add3A_5 = arith.constant 256000 : i32
    %add3A_6 = arith.addi %add3A_5, %mul3A_2 : i32
    %dma_start3A = tpu.memref_slice %arg4[%add3A_6] : memref<320000xi32, #tpu.memory_space<hbm>> -> memref<4000xi32, #tpu.memory_space<hbm>>
    %dma_start3A_7 = tpu.memref_slice %arg4[%add3A_6] : memref<320000xi32, #tpu.memory_space<hbm>> -> memref<4000xi32, #tpu.memory_space<hbm>>
    tpu.enqueue_dma source(%dma_start3A_7 : memref<4000xi32, #tpu.memory_space<hbm>>) target(%arg7 : memref<4000xi32, #tpu.memory_space<vmem>>) target_semaphore(%arg19 : memref<!tpu.dma_semaphore, #tpu.memory_space<semaphore_mem>>)
    %dma_start3A_8 = tpu.memref_slice %arg3[%mul3A_2] : memref<64000xf32, #tpu.memory_space<hbm>> -> memref<4000xf32, #tpu.memory_space<hbm>>
    %dma_start3A_9 = tpu.memref_slice %arg3[%mul3A_2] : memref<64000xf32, #tpu.memory_space<hbm>> -> memref<4000xf32, #tpu.memory_space<hbm>>
    tpu.enqueue_dma source(%dma_start3A_9 : memref<4000xf32, #tpu.memory_space<hbm>>) target(%arg8 : memref<4000xf32, #tpu.memory_space<vmem>>) target_semaphore(%arg20 : memref<!tpu.dma_semaphore, #tpu.memory_space<semaphore_mem>>)
    %dma_start3A_10 = tpu.memref_slice %arg4[%mul3A_4] : memref<320000xi32, #tpu.memory_space<hbm>> -> memref<10000xi32, #tpu.memory_space<hbm>>
    %dma_start3A_11 = tpu.memref_slice %arg4[%mul3A_4] : memref<320000xi32, #tpu.memory_space<hbm>> -> memref<10000xi32, #tpu.memory_space<hbm>>
    tpu.enqueue_dma source(%dma_start3A_11 : memref<10000xi32, #tpu.memory_space<hbm>>) target(%arg16 : memref<10000xi32, #tpu.memory_space<vmem>>) target_semaphore(%arg21 : memref<!tpu.dma_semaphore, #tpu.memory_space<semaphore_mem>>)
    tpu.enqueue_dma source(%arg5 : memref<2x10240xf32, #tpu.memory_space<hbm>>) target(%arg14 : memref<2x10240xf32, #tpu.memory_space<vmem>>) target_semaphore(%arg22 : memref<!tpu.dma_semaphore, #tpu.memory_space<semaphore_mem>>)
    %parallel_loop3A = arith.constant 0 : i32
    %parallel_loop3A_12 = arith.constant 640 : i32
    %parallel_loop3A_13 = arith.constant 1 : i32
    scf.for %parallel_loop3A_46 = %parallel_loop3A to %parallel_loop3A_12 step %parallel_loop3A_13  : i32 {
      %parallel_loop3A_47 = arith.constant 16 : i32
      %parallel_loop3A_48 = arith.muli %parallel_loop3A_46, %parallel_loop3A_47 : i32
      %parallel_loop3A_49 = tpu.assume_multiple %parallel_loop3A_48, 16 : i32
      %parallel_loop3A_50 = arith.constant 0.000000e+00 : f32
      %parallel_loop3A_51 = vector.broadcast %parallel_loop3A_50 : f32 to vector<16xf32>
      %parallel_loop3A_52 = arith.index_cast %parallel_loop3A_49 : i32 to index
      %parallel_loop3A_53 = tpu.vector_load %arg9[%parallel_loop3A_52] {strides = array<i32>} : memref<10240xf32, #tpu.memory_space<vmem>>, vector<16xf32>,
      tpu.vector_store %arg9[%parallel_loop3A_52], %parallel_loop3A_51 {strides = array<i32>} : memref<10240xf32, #tpu.memory_space<vmem>>, vector<16xf32>,
    } {sc.loop_unroll_factor = 4 : i64, sc.parallel_access}
    %dma_wait3A = tpu.memref_slice %arg4[%add3A_6] : memref<320000xi32, #tpu.memory_space<hbm>> -> memref<4000xi32, #tpu.memory_space<hbm>>
    %dma_wait3A_14 = tpu.memref_slice %arg4[%add3A_6] : memref<320000xi32, #tpu.memory_space<hbm>> -> memref<4000xi32, #tpu.memory_space<hbm>>
    tpu.wait_dma2 semaphore(%arg19 : memref<!tpu.dma_semaphore, #tpu.memory_space<semaphore_mem>>) src(%dma_wait3A_14 : memref<4000xi32, #tpu.memory_space<hbm>>) dst(%arg7 : memref<4000xi32, #tpu.memory_space<vmem>>)
    %dma_wait3A_15 = tpu.memref_slice %arg3[%mul3A_2] : memref<64000xf32, #tpu.memory_space<hbm>> -> memref<4000xf32, #tpu.memory_space<hbm>>
    %dma_wait3A_16 = tpu.memref_slice %arg3[%mul3A_2] : memref<64000xf32, #tpu.memory_space<hbm>> -> memref<4000xf32, #tpu.memory_space<hbm>>
    tpu.wait_dma2 semaphore(%arg20 : memref<!tpu.dma_semaphore, #tpu.memory_space<semaphore_mem>>) src(%dma_wait3A_16 : memref<4000xf32, #tpu.memory_space<hbm>>) dst(%arg8 : memref<4000xf32, #tpu.memory_space<vmem>>)
    %scan3A = arith.constant 0 : i32
    %scan3A_17 = arith.constant 0 : i32
    %scan3A_18 = arith.constant 50 : i32
    %scan3A_19 = arith.addi %scan3A_17, %scan3A_18 : i32
    %scan3A_20 = arith.constant 1 : i32
    scf.for %scan3A_46 = %scan3A_17 to %scan3A_19 step %scan3A_20  : i32 {
      %mul3A_47 = arith.constant 80 : i32
      %mul3A_48 = arith.muli %scan3A_46, %mul3A_47 : i32
      %multiple_of3A_49 = tpu.assume_multiple %mul3A_48, 16 : i32
      %add3A_50 = arith.constant 0 : i32
      %add3A_51 = arith.addi %multiple_of3A_49, %add3A_50 : i32
      %get3A = arith.index_cast %add3A_51 : i32 to index
      %get3A_52 = tpu.vector_load %arg7[%get3A] {strides = array<i32>} : memref<4000xi32, #tpu.memory_space<vmem>>, vector<16xi32>,
      %get3A_53 = arith.index_cast %add3A_51 : i32 to index
      %get3A_54 = tpu.vector_load %arg8[%get3A_53] {strides = array<i32>} : memref<4000xf32, #tpu.memory_space<vmem>>, vector<16xf32>,
      tpu.vector_store_idx %arg9[%get3A_52], %get3A_54 {add = true} : memref<10240xf32, #tpu.memory_space<vmem>>[vector<16xi32>], vector<16xf32>,
      %add3A_55 = arith.constant 16 : i32
      %add3A_56 = arith.addi %multiple_of3A_49, %add3A_55 : i32
      %get3A_57 = arith.index_cast %add3A_56 : i32 to index
      %get3A_58 = tpu.vector_load %arg7[%get3A_57] {strides = array<i32>} : memref<4000xi32, #tpu.memory_space<vmem>>, vector<16xi32>,
      %get3A_59 = arith.index_cast %add3A_56 : i32 to index
      %get3A_60 = tpu.vector_load %arg8[%get3A_59] {strides = array<i32>} : memref<4000xf32, #tpu.memory_space<vmem>>, vector<16xf32>,
      tpu.vector_store_idx %arg9[%get3A_58], %get3A_60 {add = true} : memref<10240xf32, #tpu.memory_space<vmem>>[vector<16xi32>], vector<16xf32>,
      %add3A_61 = arith.constant 32 : i32
      %add3A_62 = arith.addi %multiple_of3A_49, %add3A_61 : i32
      %get3A_63 = arith.index_cast %add3A_62 : i32 to index
      %get3A_64 = tpu.vector_load %arg7[%get3A_63] {strides = array<i32>} : memref<4000xi32, #tpu.memory_space<vmem>>, vector<16xi32>,
      %get3A_65 = arith.index_cast %add3A_62 : i32 to index
      %get3A_66 = tpu.vector_load %arg8[%get3A_65] {strides = array<i32>} : memref<4000xf32, #tpu.memory_space<vmem>>, vector<16xf32>,
      tpu.vector_store_idx %arg9[%get3A_64], %get3A_66 {add = true} : memref<10240xf32, #tpu.memory_space<vmem>>[vector<16xi32>], vector<16xf32>,
      %add3A_67 = arith.constant 48 : i32
      %add3A_68 = arith.addi %multiple_of3A_49, %add3A_67 : i32
      %get3A_69 = arith.index_cast %add3A_68 : i32 to index
      %get3A_70 = tpu.vector_load %arg7[%get3A_69] {strides = array<i32>} : memref<4000xi32, #tpu.memory_space<vmem>>, vector<16xi32>,
      %get3A_71 = arith.index_cast %add3A_68 : i32 to index
      %get3A_72 = tpu.vector_load %arg8[%get3A_71] {strides = array<i32>} : memref<4000xf32, #tpu.memory_space<vmem>>, vector<16xf32>,
      tpu.vector_store_idx %arg9[%get3A_70], %get3A_72 {add = true} : memref<10240xf32, #tpu.memory_space<vmem>>[vector<16xi32>], vector<16xf32>,
      %add3A_73 = arith.constant 64 : i32
      %add3A_74 = arith.addi %multiple_of3A_49, %add3A_73 : i32
      %get3A_75 = arith.index_cast %add3A_74 : i32 to index
      %get3A_76 = tpu.vector_load %arg7[%get3A_75] {strides = array<i32>} : memref<4000xi32, #tpu.memory_space<vmem>>, vector<16xi32>,
      %get3A_77 = arith.index_cast %add3A_74 : i32 to index
      %get3A_78 = tpu.vector_load %arg8[%get3A_77] {strides = array<i32>} : memref<4000xf32, #tpu.memory_space<vmem>>, vector<16xf32>,
      tpu.vector_store_idx %arg9[%get3A_76], %get3A_78 {add = true} : memref<10240xf32, #tpu.memory_space<vmem>>[vector<16xi32>], vector<16xf32>,
    }
    %scan3A_21 = arith.constant 50 : i32
    "tpu.region"() ({
      %run_scoped3A = tpu.sem_alloc : memref<!tpu.dma_semaphore, #tpu.memory_space<semaphore_mem>>
      %dma_start3A_46 = arith.constant 0 : i32
      %dma_start3A_47 = tpu.memref_slice %arg10[%arg1, %dma_start3A_46] : memref<16x10240xf32, #tpu.memory_space<vmem_shared>> -> memref<1x10240xf32, #tpu.memory_space<vmem_shared>>
      %dma_start3A_48 = tpu.memref_squeeze %dma_start3A_47 : memref<1x10240xf32, #tpu.memory_space<vmem_shared>> -> memref<10240xf32, #tpu.memory_space<vmem_shared>>
      %dma_start3A_49 = arith.constant 0 : i32
      %dma_start3A_50 = tpu.memref_slice %arg10[%arg1, %dma_start3A_49] : memref<16x10240xf32, #tpu.memory_space<vmem_shared>> -> memref<1x10240xf32, #tpu.memory_space<vmem_shared>>
      %dma_start3A_51 = tpu.memref_squeeze %dma_start3A_50 : memref<1x10240xf32, #tpu.memory_space<vmem_shared>> -> memref<10240xf32, #tpu.memory_space<vmem_shared>>
      tpu.enqueue_dma source(%arg9 : memref<10240xf32, #tpu.memory_space<vmem>>) target(%dma_start3A_51 : memref<10240xf32, #tpu.memory_space<vmem_shared>>) target_semaphore(%run_scoped3A : memref<!tpu.dma_semaphore, #tpu.memory_space<semaphore_mem>>)
      %dma_wait3A_52 = arith.constant 0 : i32
      %dma_wait3A_53 = tpu.memref_slice %arg10[%arg1, %dma_wait3A_52] : memref<16x10240xf32, #tpu.memory_space<vmem_shared>> -> memref<1x10240xf32, #tpu.memory_space<vmem_shared>>
      %dma_wait3A_54 = tpu.memref_squeeze %dma_wait3A_53 : memref<1x10240xf32, #tpu.memory_space<vmem_shared>> -> memref<10240xf32, #tpu.memory_space<vmem_shared>>
      %dma_wait3A_55 = arith.constant 0 : i32
      %dma_wait3A_56 = tpu.memref_slice %arg10[%arg1, %dma_wait3A_55] : memref<16x10240xf32, #tpu.memory_space<vmem_shared>> -> memref<1x10240xf32, #tpu.memory_space<vmem_shared>>
      %dma_wait3A_57 = tpu.memref_squeeze %dma_wait3A_56 : memref<1x10240xf32, #tpu.memory_space<vmem_shared>> -> memref<10240xf32, #tpu.memory_space<vmem_shared>>
      tpu.wait_dma2 semaphore(%run_scoped3A : memref<!tpu.dma_semaphore, #tpu.memory_space<semaphore_mem>>) src(%arg9 : memref<10240xf32, #tpu.memory_space<vmem>>) dst(%dma_wait3A_57 : memref<10240xf32, #tpu.memory_space<vmem_shared>>)
      tpu.yield
    }) : () -> ()
    %barrier3A = arith.constant 0 : index
    tpu.barrier barrier_id(%barrier3A)
    %mul3A_22 = arith.constant 640 : i32
    %mul3A_23 = arith.muli %arg1, %mul3A_22 : i32
    %multiple_of3A = tpu.assume_multiple %mul3A_23, 16 : i32
    "tpu.region"() ({
      %run_scoped3A = tpu.sem_alloc : memref<!tpu.dma_semaphore, #tpu.memory_space<semaphore_mem>>
      %dma_start3A_46 = arith.constant 0 : i32
      %dma_start3A_47 = tpu.memref_slice %arg10[%dma_start3A_46, %multiple_of3A] : memref<16x10240xf32, #tpu.memory_space<vmem_shared>> -> memref<16x640xf32, #tpu.memory_space<vmem_shared>>
      %dma_start3A_48 = arith.constant 0 : i32
      %dma_start3A_49 = tpu.memref_slice %arg10[%dma_start3A_48, %multiple_of3A] : memref<16x10240xf32, #tpu.memory_space<vmem_shared>> -> memref<16x640xf32, #tpu.memory_space<vmem_shared>>
      tpu.enqueue_dma source(%dma_start3A_49 : memref<16x640xf32, #tpu.memory_space<vmem_shared>>) target(%arg12 : memref<16x640xf32, #tpu.memory_space<vmem>>) target_semaphore(%run_scoped3A : memref<!tpu.dma_semaphore, #tpu.memory_space<semaphore_mem>>)
      %dma_wait3A_50 = arith.constant 0 : i32
      %dma_wait3A_51 = tpu.memref_slice %arg10[%dma_wait3A_50, %multiple_of3A] : memref<16x10240xf32, #tpu.memory_space<vmem_shared>> -> memref<16x640xf32, #tpu.memory_space<vmem_shared>>
      %dma_wait3A_52 = arith.constant 0 : i32
      %dma_wait3A_53 = tpu.memref_slice %arg10[%dma_wait3A_52, %multiple_of3A] : memref<16x10240xf32, #tpu.memory_space<vmem_shared>> -> memref<16x640xf32, #tpu.memory_space<vmem_shared>>
      tpu.wait_dma2 semaphore(%run_scoped3A : memref<!tpu.dma_semaphore, #tpu.memory_space<semaphore_mem>>) src(%dma_wait3A_53 : memref<16x640xf32, #tpu.memory_space<vmem_shared>>) dst(%arg12 : memref<16x640xf32, #tpu.memory_space<vmem>>)
      tpu.yield
    }) : () -> ()
    %parallel_loop3A_24 = arith.constant 0 : i32
    %parallel_loop3A_25 = arith.constant 40 : i32
    %parallel_loop3A_26 = arith.constant 1 : i32
    scf.for %parallel_loop3A_46 = %parallel_loop3A_24 to %parallel_loop3A_25 step %parallel_loop3A_26  : i32 {
      %parallel_loop3A_47 = arith.constant 16 : i32
      %parallel_loop3A_48 = arith.muli %parallel_loop3A_46, %parallel_loop3A_47 : i32
      %parallel_loop3A_49 = tpu.assume_multiple %parallel_loop3A_48, 16 : i32
      %parallel_loop3A_50 = arith.constant 0 : i32
      %parallel_loop3A_51 = arith.index_cast %parallel_loop3A_50 : i32 to index
      %parallel_loop3A_52 = arith.index_cast %parallel_loop3A_49 : i32 to index
      %parallel_loop3A_53 = tpu.vector_load %arg12[%parallel_loop3A_51, %parallel_loop3A_52] {strides = array<i32>} : memref<16x640xf32, #tpu.memory_space<vmem>>, vector<16xf32>,
      %parallel_loop3A_54 = arith.constant 1 : i32
      %parallel_loop3A_55 = arith.index_cast %parallel_loop3A_54 : i32 to index
      %parallel_loop3A_56 = arith.index_cast %parallel_loop3A_49 : i32 to index
      %parallel_loop3A_57 = tpu.vector_load %arg12[%parallel_loop3A_55, %parallel_loop3A_56] {strides = array<i32>} : memref<16x640xf32, #tpu.memory_space<vmem>>, vector<16xf32>,
      %parallel_loop3A_58 = arith.addf %parallel_loop3A_53, %parallel_loop3A_57 : vector<16xf32>
      %parallel_loop3A_59 = arith.constant 2 : i32
      %parallel_loop3A_60 = arith.index_cast %parallel_loop3A_59 : i32 to index
      %parallel_loop3A_61 = arith.index_cast %parallel_loop3A_49 : i32 to index
      %parallel_loop3A_62 = tpu.vector_load %arg12[%parallel_loop3A_60, %parallel_loop3A_61] {strides = array<i32>} : memref<16x640xf32, #tpu.memory_space<vmem>>, vector<16xf32>,
      %parallel_loop3A_63 = arith.addf %parallel_loop3A_58, %parallel_loop3A_62 : vector<16xf32>
      %parallel_loop3A_64 = arith.constant 3 : i32
      %parallel_loop3A_65 = arith.index_cast %parallel_loop3A_64 : i32 to index
      %parallel_loop3A_66 = arith.index_cast %parallel_loop3A_49 : i32 to index
      %parallel_loop3A_67 = tpu.vector_load %arg12[%parallel_loop3A_65, %parallel_loop3A_66] {strides = array<i32>} : memref<16x640xf32, #tpu.memory_space<vmem>>, vector<16xf32>,
      %parallel_loop3A_68 = arith.addf %parallel_loop3A_63, %parallel_loop3A_67 : vector<16xf32>
      %parallel_loop3A_69 = arith.constant 4 : i32
      %parallel_loop3A_70 = arith.index_cast %parallel_loop3A_69 : i32 to index
      %parallel_loop3A_71 = arith.index_cast %parallel_loop3A_49 : i32 to index
      %parallel_loop3A_72 = tpu.vector_load %arg12[%parallel_loop3A_70, %parallel_loop3A_71] {strides = array<i32>} : memref<16x640xf32, #tpu.memory_space<vmem>>, vector<16xf32>,
      %parallel_loop3A_73 = arith.addf %parallel_loop3A_68, %parallel_loop3A_72 : vector<16xf32>
      %parallel_loop3A_74 = arith.constant 5 : i32
      %parallel_loop3A_75 = arith.index_cast %parallel_loop3A_74 : i32 to index
      %parallel_loop3A_76 = arith.index_cast %parallel_loop3A_49 : i32 to index
      %parallel_loop3A_77 = tpu.vector_load %arg12[%parallel_loop3A_75, %parallel_loop3A_76] {strides = array<i32>} : memref<16x640xf32, #tpu.memory_space<vmem>>, vector<16xf32>,
      %parallel_loop3A_78 = arith.addf %parallel_loop3A_73, %parallel_loop3A_77 : vector<16xf32>
      %parallel_loop3A_79 = arith.constant 6 : i32
      %parallel_loop3A_80 = arith.index_cast %parallel_loop3A_79 : i32 to index
      %parallel_loop3A_81 = arith.index_cast %parallel_loop3A_49 : i32 to index
      %parallel_loop3A_82 = tpu.vector_load %arg12[%parallel_loop3A_80, %parallel_loop3A_81] {strides = array<i32>} : memref<16x640xf32, #tpu.memory_space<vmem>>, vector<16xf32>,
      %parallel_loop3A_83 = arith.addf %parallel_loop3A_78, %parallel_loop3A_82 : vector<16xf32>
      %parallel_loop3A_84 = arith.constant 7 : i32
      %parallel_loop3A_85 = arith.index_cast %parallel_loop3A_84 : i32 to index
      %parallel_loop3A_86 = arith.index_cast %parallel_loop3A_49 : i32 to index
      %parallel_loop3A_87 = tpu.vector_load %arg12[%parallel_loop3A_85, %parallel_loop3A_86] {strides = array<i32>} : memref<16x640xf32, #tpu.memory_space<vmem>>, vector<16xf32>,
      %parallel_loop3A_88 = arith.addf %parallel_loop3A_83, %parallel_loop3A_87 : vector<16xf32>
      %parallel_loop3A_89 = arith.constant 8 : i32
      %parallel_loop3A_90 = arith.index_cast %parallel_loop3A_89 : i32 to index
      %parallel_loop3A_91 = arith.index_cast %parallel_loop3A_49 : i32 to index
      %parallel_loop3A_92 = tpu.vector_load %arg12[%parallel_loop3A_90, %parallel_loop3A_91] {strides = array<i32>} : memref<16x640xf32, #tpu.memory_space<vmem>>, vector<16xf32>,
      %parallel_loop3A_93 = arith.addf %parallel_loop3A_88, %parallel_loop3A_92 : vector<16xf32>
      %parallel_loop3A_94 = arith.constant 9 : i32
      %parallel_loop3A_95 = arith.index_cast %parallel_loop3A_94 : i32 to index
      %parallel_loop3A_96 = arith.index_cast %parallel_loop3A_49 : i32 to index
      %parallel_loop3A_97 = tpu.vector_load %arg12[%parallel_loop3A_95, %parallel_loop3A_96] {strides = array<i32>} : memref<16x640xf32, #tpu.memory_space<vmem>>, vector<16xf32>,
      %parallel_loop3A_98 = arith.addf %parallel_loop3A_93, %parallel_loop3A_97 : vector<16xf32>
      %parallel_loop3A_99 = arith.constant 10 : i32
      %parallel_loop3A_100 = arith.index_cast %parallel_loop3A_99 : i32 to index
      %parallel_loop3A_101 = arith.index_cast %parallel_loop3A_49 : i32 to index
      %parallel_loop3A_102 = tpu.vector_load %arg12[%parallel_loop3A_100, %parallel_loop3A_101] {strides = array<i32>} : memref<16x640xf32, #tpu.memory_space<vmem>>, vector<16xf32>,
      %parallel_loop3A_103 = arith.addf %parallel_loop3A_98, %parallel_loop3A_102 : vector<16xf32>
      %parallel_loop3A_104 = arith.constant 11 : i32
      %parallel_loop3A_105 = arith.index_cast %parallel_loop3A_104 : i32 to index
      %parallel_loop3A_106 = arith.index_cast %parallel_loop3A_49 : i32 to index
      %parallel_loop3A_107 = tpu.vector_load %arg12[%parallel_loop3A_105, %parallel_loop3A_106] {strides = array<i32>} : memref<16x640xf32, #tpu.memory_space<vmem>>, vector<16xf32>,
      %parallel_loop3A_108 = arith.addf %parallel_loop3A_103, %parallel_loop3A_107 : vector<16xf32>
      %parallel_loop3A_109 = arith.constant 12 : i32
      %parallel_loop3A_110 = arith.index_cast %parallel_loop3A_109 : i32 to index
      %parallel_loop3A_111 = arith.index_cast %parallel_loop3A_49 : i32 to index
      %parallel_loop3A_112 = tpu.vector_load %arg12[%parallel_loop3A_110, %parallel_loop3A_111] {strides = array<i32>} : memref<16x640xf32, #tpu.memory_space<vmem>>, vector<16xf32>,
      %parallel_loop3A_113 = arith.addf %parallel_loop3A_108, %parallel_loop3A_112 : vector<16xf32>
      %parallel_loop3A_114 = arith.constant 13 : i32
      %parallel_loop3A_115 = arith.index_cast %parallel_loop3A_114 : i32 to index
      %parallel_loop3A_116 = arith.index_cast %parallel_loop3A_49 : i32 to index
      %parallel_loop3A_117 = tpu.vector_load %arg12[%parallel_loop3A_115, %parallel_loop3A_116] {strides = array<i32>} : memref<16x640xf32, #tpu.memory_space<vmem>>, vector<16xf32>,
      %parallel_loop3A_118 = arith.addf %parallel_loop3A_113, %parallel_loop3A_117 : vector<16xf32>
      %parallel_loop3A_119 = arith.constant 14 : i32
      %parallel_loop3A_120 = arith.index_cast %parallel_loop3A_119 : i32 to index
      %parallel_loop3A_121 = arith.index_cast %parallel_loop3A_49 : i32 to index
      %parallel_loop3A_122 = tpu.vector_load %arg12[%parallel_loop3A_120, %parallel_loop3A_121] {strides = array<i32>} : memref<16x640xf32, #tpu.memory_space<vmem>>, vector<16xf32>,
      %parallel_loop3A_123 = arith.addf %parallel_loop3A_118, %parallel_loop3A_122 : vector<16xf32>
      %parallel_loop3A_124 = arith.constant 15 : i32
      %parallel_loop3A_125 = arith.index_cast %parallel_loop3A_124 : i32 to index
      %parallel_loop3A_126 = arith.index_cast %parallel_loop3A_49 : i32 to index
      %parallel_loop3A_127 = tpu.vector_load %arg12[%parallel_loop3A_125, %parallel_loop3A_126] {strides = array<i32>} : memref<16x640xf32, #tpu.memory_space<vmem>>, vector<16xf32>,
      %parallel_loop3A_128 = arith.addf %parallel_loop3A_123, %parallel_loop3A_127 : vector<16xf32>
      %parallel_loop3A_129 = arith.index_cast %parallel_loop3A_49 : i32 to index
      %parallel_loop3A_130 = tpu.vector_load %arg13[%parallel_loop3A_129] {strides = array<i32>} : memref<640xf32, #tpu.memory_space<vmem>>, vector<16xf32>,
      tpu.vector_store %arg13[%parallel_loop3A_129], %parallel_loop3A_128 {strides = array<i32>} : memref<640xf32, #tpu.memory_space<vmem>>, vector<16xf32>,
    } {sc.loop_unroll_factor = 2 : i64, sc.parallel_access}
    "tpu.region"() ({
      %run_scoped3A = tpu.sem_alloc : memref<!tpu.dma_semaphore, #tpu.memory_space<semaphore_mem>>
      %dma_start3A_46 = tpu.memref_slice %arg11[%multiple_of3A] : memref<10240xf32, #tpu.memory_space<vmem_shared>> -> memref<640xf32, #tpu.memory_space<vmem_shared>>
      %dma_start3A_47 = tpu.memref_slice %arg11[%multiple_of3A] : memref<10240xf32, #tpu.memory_space<vmem_shared>> -> memref<640xf32, #tpu.memory_space<vmem_shared>>
      tpu.enqueue_dma source(%arg13 : memref<640xf32, #tpu.memory_space<vmem>>) target(%dma_start3A_47 : memref<640xf32, #tpu.memory_space<vmem_shared>>) target_semaphore(%run_scoped3A : memref<!tpu.dma_semaphore, #tpu.memory_space<semaphore_mem>>)
      %dma_wait3A_48 = tpu.memref_slice %arg11[%multiple_of3A] : memref<10240xf32, #tpu.memory_space<vmem_shared>> -> memref<640xf32, #tpu.memory_space<vmem_shared>>
      %dma_wait3A_49 = tpu.memref_slice %arg11[%multiple_of3A] : memref<10240xf32, #tpu.memory_space<vmem_shared>> -> memref<640xf32, #tpu.memory_space<vmem_shared>>
      tpu.wait_dma2 semaphore(%run_scoped3A : memref<!tpu.dma_semaphore, #tpu.memory_space<semaphore_mem>>) src(%arg13 : memref<640xf32, #tpu.memory_space<vmem>>) dst(%dma_wait3A_49 : memref<640xf32, #tpu.memory_space<vmem_shared>>)
      tpu.yield
    }) : () -> ()
    %barrier3A_27 = arith.constant 0 : index
    tpu.barrier barrier_id(%barrier3A_27)
    "tpu.region"() ({
      %run_scoped3A = tpu.sem_alloc : memref<!tpu.dma_semaphore, #tpu.memory_space<semaphore_mem>>
      tpu.enqueue_dma source(%arg11 : memref<10240xf32, #tpu.memory_space<vmem_shared>>) target(%arg9 : memref<10240xf32, #tpu.memory_space<vmem>>) target_semaphore(%run_scoped3A : memref<!tpu.dma_semaphore, #tpu.memory_space<semaphore_mem>>)
      tpu.wait_dma2 semaphore(%run_scoped3A : memref<!tpu.dma_semaphore, #tpu.memory_space<semaphore_mem>>) src(%arg11 : memref<10240xf32, #tpu.memory_space<vmem_shared>>) dst(%arg9 : memref<10240xf32, #tpu.memory_space<vmem>>)
      tpu.yield
    }) : () -> ()
    tpu.wait_dma2 semaphore(%arg22 : memref<!tpu.dma_semaphore, #tpu.memory_space<semaphore_mem>>) src(%arg5 : memref<2x10240xf32, #tpu.memory_space<hbm>>) dst(%arg14 : memref<2x10240xf32, #tpu.memory_space<vmem>>)
    %parallel_loop3A_28 = arith.constant 0 : i32
    %parallel_loop3A_29 = arith.constant 640 : i32
    %parallel_loop3A_30 = arith.constant 1 : i32
    scf.for %parallel_loop3A_46 = %parallel_loop3A_28 to %parallel_loop3A_29 step %parallel_loop3A_30  : i32 {
      %parallel_loop3A_47 = arith.constant 16 : i32
      %parallel_loop3A_48 = arith.muli %parallel_loop3A_46, %parallel_loop3A_47 : i32
      %parallel_loop3A_49 = tpu.assume_multiple %parallel_loop3A_48, 16 : i32
      %parallel_loop3A_50 = arith.constant 0 : i32
      %parallel_loop3A_51 = arith.index_cast %parallel_loop3A_50 : i32 to index
      %parallel_loop3A_52 = arith.index_cast %parallel_loop3A_49 : i32 to index
      %parallel_loop3A_53 = tpu.vector_load %arg14[%parallel_loop3A_51, %parallel_loop3A_52] {strides = array<i32>} : memref<2x10240xf32, #tpu.memory_space<vmem>>, vector<16xf32>,
      %parallel_loop3A_54 = arith.constant 1 : i32
      %parallel_loop3A_55 = arith.index_cast %parallel_loop3A_54 : i32 to index
      %parallel_loop3A_56 = arith.index_cast %parallel_loop3A_49 : i32 to index
      %parallel_loop3A_57 = tpu.vector_load %arg14[%parallel_loop3A_55, %parallel_loop3A_56] {strides = array<i32>} : memref<2x10240xf32, #tpu.memory_space<vmem>>, vector<16xf32>,
      %parallel_loop3A_58 = arith.addf %parallel_loop3A_53, %parallel_loop3A_57 : vector<16xf32>
      %parallel_loop3A_59 = arith.index_cast %parallel_loop3A_49 : i32 to index
      %parallel_loop3A_60 = tpu.vector_load %arg9[%parallel_loop3A_59] {strides = array<i32>} : memref<10240xf32, #tpu.memory_space<vmem>>, vector<16xf32>,
      %parallel_loop3A_61 = arith.addf %parallel_loop3A_58, %parallel_loop3A_60 : vector<16xf32>
      %parallel_loop3A_62 = arith.index_cast %parallel_loop3A_49 : i32 to index
      %parallel_loop3A_63 = tpu.vector_load %arg15[%parallel_loop3A_62] {strides = array<i32>} : memref<10240xf32, #tpu.memory_space<vmem>>, vector<16xf32>,
      tpu.vector_store %arg15[%parallel_loop3A_62], %parallel_loop3A_61 {strides = array<i32>} : memref<10240xf32, #tpu.memory_space<vmem>>, vector<16xf32>,
    } {sc.loop_unroll_factor = 4 : i64, sc.parallel_access}
    %dma_wait3A_31 = tpu.memref_slice %arg4[%mul3A_4] : memref<320000xi32, #tpu.memory_space<hbm>> -> memref<10000xi32, #tpu.memory_space<hbm>>
    %dma_wait3A_32 = tpu.memref_slice %arg4[%mul3A_4] : memref<320000xi32, #tpu.memory_space<hbm>> -> memref<10000xi32, #tpu.memory_space<hbm>>
    tpu.wait_dma2 semaphore(%arg21 : memref<!tpu.dma_semaphore, #tpu.memory_space<semaphore_mem>>) src(%dma_wait3A_32 : memref<10000xi32, #tpu.memory_space<hbm>>) dst(%arg16 : memref<10000xi32, #tpu.memory_space<vmem>>)
    %lt3A = arith.constant 25 : i32
    %lt3A_33 = arith.cmpi slt, %add3A, %lt3A : i32
    %convert_element_type3A = arith.extui %lt3A_33 : i1 to i32
    %cond3A = arith.constant 0 : i32
    %cond3A_34 = arith.cmpi ne, %convert_element_type3A, %cond3A : i32
    scf.if %cond3A_34 {
      "tpu.region"() ({
        %run_scoped3A = tpu.sem_alloc : memref<!tpu.dma_semaphore, #tpu.memory_space<semaphore_mem>>
        %dma_start3A_46 = tpu.memref_slice %arg2[%mul3A_4] : memref<256000xf32, #tpu.memory_space<hbm>> -> memref<10000xf32, #tpu.memory_space<hbm>>
        %dma_start3A_47 = tpu.memref_slice %arg2[%mul3A_4] : memref<256000xf32, #tpu.memory_space<hbm>> -> memref<10000xf32, #tpu.memory_space<hbm>>
        tpu.enqueue_dma source(%dma_start3A_47 : memref<10000xf32, #tpu.memory_space<hbm>>) target(%arg17 : memref<10000xf32, #tpu.memory_space<vmem>>) target_semaphore(%run_scoped3A : memref<!tpu.dma_semaphore, #tpu.memory_space<semaphore_mem>>)
        %dma_wait3A_48 = tpu.memref_slice %arg2[%mul3A_4] : memref<256000xf32, #tpu.memory_space<hbm>> -> memref<10000xf32, #tpu.memory_space<hbm>>
        %dma_wait3A_49 = tpu.memref_slice %arg2[%mul3A_4] : memref<256000xf32, #tpu.memory_space<hbm>> -> memref<10000xf32, #tpu.memory_space<hbm>>
        tpu.wait_dma2 semaphore(%run_scoped3A : memref<!tpu.dma_semaphore, #tpu.memory_space<semaphore_mem>>) src(%dma_wait3A_49 : memref<10000xf32, #tpu.memory_space<hbm>>) dst(%arg17 : memref<10000xf32, #tpu.memory_space<vmem>>)
        tpu.yield
      }) : () -> ()
    } else {
    }
    %eq3A = arith.constant 25 : i32
    %eq3A_35 = arith.cmpi eq, %add3A, %eq3A : i32
    %convert_element_type3A_36 = arith.extui %eq3A_35 : i1 to i32
    %cond3A_37 = arith.constant 0 : i32
    %cond3A_38 = arith.cmpi ne, %convert_element_type3A_36, %cond3A_37 : i32
    scf.if %cond3A_38 {
      "tpu.region"() ({
        %run_scoped3A = tpu.sem_alloc : memref<!tpu.dma_semaphore, #tpu.memory_space<semaphore_mem>>
        %dma_start3A_46 = arith.constant 0 : i32
        %dma_start3A_47 = tpu.memref_slice %arg17[%dma_start3A_46] : memref<10000xf32, #tpu.memory_space<vmem>> -> memref<6000xf32, #tpu.memory_space<vmem>>
        %dma_start3A_48 = arith.constant 250000 : i32
        %dma_start3A_49 = tpu.memref_slice %arg2[%dma_start3A_48] : memref<256000xf32, #tpu.memory_space<hbm>> -> memref<6000xf32, #tpu.memory_space<hbm>>
        %dma_start3A_50 = arith.constant 0 : i32
        %dma_start3A_51 = tpu.memref_slice %arg17[%dma_start3A_50] : memref<10000xf32, #tpu.memory_space<vmem>> -> memref<6000xf32, #tpu.memory_space<vmem>>
        %dma_start3A_52 = arith.constant 250000 : i32
        %dma_start3A_53 = tpu.memref_slice %arg2[%dma_start3A_52] : memref<256000xf32, #tpu.memory_space<hbm>> -> memref<6000xf32, #tpu.memory_space<hbm>>
        tpu.enqueue_dma source(%dma_start3A_53 : memref<6000xf32, #tpu.memory_space<hbm>>) target(%dma_start3A_51 : memref<6000xf32, #tpu.memory_space<vmem>>) target_semaphore(%run_scoped3A : memref<!tpu.dma_semaphore, #tpu.memory_space<semaphore_mem>>)
        %dma_wait3A_54 = arith.constant 0 : i32
        %dma_wait3A_55 = tpu.memref_slice %arg17[%dma_wait3A_54] : memref<10000xf32, #tpu.memory_space<vmem>> -> memref<6000xf32, #tpu.memory_space<vmem>>
        %dma_wait3A_56 = arith.constant 250000 : i32
        %dma_wait3A_57 = tpu.memref_slice %arg2[%dma_wait3A_56] : memref<256000xf32, #tpu.memory_space<hbm>> -> memref<6000xf32, #tpu.memory_space<hbm>>
        %dma_wait3A_58 = arith.constant 0 : i32
        %dma_wait3A_59 = tpu.memref_slice %arg17[%dma_wait3A_58] : memref<10000xf32, #tpu.memory_space<vmem>> -> memref<6000xf32, #tpu.memory_space<vmem>>
        %dma_wait3A_60 = arith.constant 250000 : i32
        %dma_wait3A_61 = tpu.memref_slice %arg2[%dma_wait3A_60] : memref<256000xf32, #tpu.memory_space<hbm>> -> memref<6000xf32, #tpu.memory_space<hbm>>
        tpu.wait_dma2 semaphore(%run_scoped3A : memref<!tpu.dma_semaphore, #tpu.memory_space<semaphore_mem>>) src(%dma_wait3A_61 : memref<6000xf32, #tpu.memory_space<hbm>>) dst(%dma_wait3A_59 : memref<6000xf32, #tpu.memory_space<vmem>>)
        tpu.yield
      }) : () -> ()
      "tpu.region"() ({
        %run_scoped3A = tpu.sem_alloc : memref<!tpu.dma_semaphore, #tpu.memory_space<semaphore_mem>>
        %dma_start3A_46 = arith.constant 6000 : i32
        %dma_start3A_47 = tpu.memref_slice %arg17[%dma_start3A_46] : memref<10000xf32, #tpu.memory_space<vmem>> -> memref<4000xf32, #tpu.memory_space<vmem>>
        %dma_start3A_48 = arith.constant 0 : i32
        %dma_start3A_49 = tpu.memref_slice %arg3[%dma_start3A_48] : memref<64000xf32, #tpu.memory_space<hbm>> -> memref<4000xf32, #tpu.memory_space<hbm>>
        %dma_start3A_50 = arith.constant 6000 : i32
        %dma_start3A_51 = tpu.memref_slice %arg17[%dma_start3A_50] : memref<10000xf32, #tpu.memory_space<vmem>> -> memref<4000xf32, #tpu.memory_space<vmem>>
        %dma_start3A_52 = arith.constant 0 : i32
        %dma_start3A_53 = tpu.memref_slice %arg3[%dma_start3A_52] : memref<64000xf32, #tpu.memory_space<hbm>> -> memref<4000xf32, #tpu.memory_space<hbm>>
        tpu.enqueue_dma source(%dma_start3A_53 : memref<4000xf32, #tpu.memory_space<hbm>>) target(%dma_start3A_51 : memref<4000xf32, #tpu.memory_space<vmem>>) target_semaphore(%run_scoped3A : memref<!tpu.dma_semaphore, #tpu.memory_space<semaphore_mem>>)
        %dma_wait3A_54 = arith.constant 6000 : i32
        %dma_wait3A_55 = tpu.memref_slice %arg17[%dma_wait3A_54] : memref<10000xf32, #tpu.memory_space<vmem>> -> memref<4000xf32, #tpu.memory_space<vmem>>
        %dma_wait3A_56 = arith.constant 0 : i32
        %dma_wait3A_57 = tpu.memref_slice %arg3[%dma_wait3A_56] : memref<64000xf32, #tpu.memory_space<hbm>> -> memref<4000xf32, #tpu.memory_space<hbm>>
        %dma_wait3A_58 = arith.constant 6000 : i32
        %dma_wait3A_59 = tpu.memref_slice %arg17[%dma_wait3A_58] : memref<10000xf32, #tpu.memory_space<vmem>> -> memref<4000xf32, #tpu.memory_space<vmem>>
        %dma_wait3A_60 = arith.constant 0 : i32
        %dma_wait3A_61 = tpu.memref_slice %arg3[%dma_wait3A_60] : memref<64000xf32, #tpu.memory_space<hbm>> -> memref<4000xf32, #tpu.memory_space<hbm>>
        tpu.wait_dma2 semaphore(%run_scoped3A : memref<!tpu.dma_semaphore, #tpu.memory_space<semaphore_mem>>) src(%dma_wait3A_61 : memref<4000xf32, #tpu.memory_space<hbm>>) dst(%dma_wait3A_59 : memref<4000xf32, #tpu.memory_space<vmem>>)
        tpu.yield
      }) : () -> ()
    } else {
    }
    %gt3A = arith.constant 25 : i32
    %gt3A_39 = arith.cmpi sgt, %add3A, %gt3A : i32
    %convert_element_type3A_40 = arith.extui %gt3A_39 : i1 to i32
    %cond3A_41 = arith.constant 0 : i32
    %cond3A_42 = arith.cmpi ne, %convert_element_type3A_40, %cond3A_41 : i32
    scf.if %cond3A_42 {
      %sub3A = arith.constant 256000 : i32
      %sub3A_46 = arith.subi %mul3A_4, %sub3A : i32
      "tpu.region"() ({
        %run_scoped3A = tpu.sem_alloc : memref<!tpu.dma_semaphore, #tpu.memory_space<semaphore_mem>>
        %dma_start3A_47 = tpu.memref_slice %arg3[%sub3A_46] : memref<64000xf32, #tpu.memory_space<hbm>> -> memref<10000xf32, #tpu.memory_space<hbm>>
        %dma_start3A_48 = tpu.memref_slice %arg3[%sub3A_46] : memref<64000xf32, #tpu.memory_space<hbm>> -> memref<10000xf32, #tpu.memory_space<hbm>>
        tpu.enqueue_dma source(%dma_start3A_48 : memref<10000xf32, #tpu.memory_space<hbm>>) target(%arg17 : memref<10000xf32, #tpu.memory_space<vmem>>) target_semaphore(%run_scoped3A : memref<!tpu.dma_semaphore, #tpu.memory_space<semaphore_mem>>)
        %dma_wait3A_49 = tpu.memref_slice %arg3[%sub3A_46] : memref<64000xf32, #tpu.memory_space<hbm>> -> memref<10000xf32, #tpu.memory_space<hbm>>
        %dma_wait3A_50 = tpu.memref_slice %arg3[%sub3A_46] : memref<64000xf32, #tpu.memory_space<hbm>> -> memref<10000xf32, #tpu.memory_space<hbm>>
        tpu.wait_dma2 semaphore(%run_scoped3A : memref<!tpu.dma_semaphore, #tpu.memory_space<semaphore_mem>>) src(%dma_wait3A_50 : memref<10000xf32, #tpu.memory_space<hbm>>) dst(%arg17 : memref<10000xf32, #tpu.memory_space<vmem>>)
        tpu.yield
      }) : () -> ()
    } else {
    }
    %parallel_loop3A_43 = arith.constant 0 : i32
    %parallel_loop3A_44 = arith.constant 625 : i32
    %parallel_loop3A_45 = arith.constant 1 : i32
    scf.for %parallel_loop3A_46 = %parallel_loop3A_43 to %parallel_loop3A_44 step %parallel_loop3A_45  : i32 {
      %parallel_loop3A_47 = arith.constant 16 : i32
      %parallel_loop3A_48 = arith.muli %parallel_loop3A_46, %parallel_loop3A_47 : i32
      %parallel_loop3A_49 = tpu.assume_multiple %parallel_loop3A_48, 16 : i32
      %parallel_loop3A_50 = arith.index_cast %parallel_loop3A_49 : i32 to index
      %parallel_loop3A_51 = tpu.vector_load %arg16[%parallel_loop3A_50] {strides = array<i32>} : memref<10000xi32, #tpu.memory_space<vmem>>, vector<16xi32>,
      %parallel_loop3A_52 = tpu.vector_load_idx %arg15[%parallel_loop3A_51] : memref<10240xf32, #tpu.memory_space<vmem>>[vector<16xi32>], vector<16xf32>,
      %parallel_loop3A_53 = arith.index_cast %parallel_loop3A_49 : i32 to index
      %parallel_loop3A_54 = tpu.vector_load %arg17[%parallel_loop3A_53] {strides = array<i32>} : memref<10000xf32, #tpu.memory_space<vmem>>, vector<16xf32>,
      %parallel_loop3A_55 = arith.divf %parallel_loop3A_54, %parallel_loop3A_52 : vector<16xf32>
      %parallel_loop3A_56 = arith.index_cast %parallel_loop3A_49 : i32 to index
      %parallel_loop3A_57 = tpu.vector_load %arg18[%parallel_loop3A_56] {strides = array<i32>} : memref<10000xf32, #tpu.memory_space<vmem>>, vector<16xf32>,
      tpu.vector_store %arg18[%parallel_loop3A_56], %parallel_loop3A_55 {strides = array<i32>} : memref<10000xf32, #tpu.memory_space<vmem>>, vector<16xf32>,
    } {sc.loop_unroll_factor = 4 : i64, sc.parallel_access}
    "tpu.region"() ({
      %run_scoped3A = tpu.sem_alloc : memref<!tpu.dma_semaphore, #tpu.memory_space<semaphore_mem>>
      %dma_start3A_46 = tpu.memref_slice %arg6[%mul3A_4] : memref<320000xf32, #tpu.memory_space<hbm>> -> memref<10000xf32, #tpu.memory_space<hbm>>
      %dma_start3A_47 = tpu.memref_slice %arg6[%mul3A_4] : memref<320000xf32, #tpu.memory_space<hbm>> -> memref<10000xf32, #tpu.memory_space<hbm>>
      tpu.enqueue_dma source(%arg18 : memref<10000xf32, #tpu.memory_space<vmem>>) target(%dma_start3A_47 : memref<10000xf32, #tpu.memory_space<hbm>>) target_semaphore(%run_scoped3A : memref<!tpu.dma_semaphore, #tpu.memory_space<semaphore_mem>>)
      %dma_wait3A_48 = tpu.memref_slice %arg6[%mul3A_4] : memref<320000xf32, #tpu.memory_space<hbm>> -> memref<10000xf32, #tpu.memory_space<hbm>>
      %dma_wait3A_49 = tpu.memref_slice %arg6[%mul3A_4] : memref<320000xf32, #tpu.memory_space<hbm>> -> memref<10000xf32, #tpu.memory_space<hbm>>
      tpu.wait_dma2 semaphore(%run_scoped3A : memref<!tpu.dma_semaphore, #tpu.memory_space<semaphore_mem>>) src(%arg18 : memref<10000xf32, #tpu.memory_space<vmem>>) dst(%dma_wait3A_49 : memref<10000xf32, #tpu.memory_space<hbm>>)
      tpu.yield
    }) : () -> ()
    return
  }
}

#map = affine_map<(d0, d1) -> (0)>
#map1 = affine_map<(d0, d1) -> (0, 0)>
module attributes {stable_mosaic.version = 14 : i64} {
  func.func @body(%arg0: i32, %arg1: i32, %arg2: memref<256000xf32, #tpu.memory_space<hbm>>, %arg3: memref<320000xi32, #tpu.memory_space<hbm>>, %arg4: memref<2x10240xf32, #tpu.memory_space<hbm>>, %arg5: memref<8000xi32, #tpu.memory_space<vmem>>, %arg6: memref<8000xf32, #tpu.memory_space<vmem>>, %arg7: memref<10240xf32, #tpu.memory_space<vmem>>, %arg8: memref<16x10240xf32, #tpu.memory_space<vmem_shared>>, %arg9: memref<16x640xf32, #tpu.memory_space<vmem>>, %arg10: memref<640xf32, #tpu.memory_space<vmem>>, %arg11: memref<!tpu.dma_semaphore, #tpu.memory_space<semaphore_mem>>, %arg12: memref<!tpu.dma_semaphore, #tpu.memory_space<semaphore_mem>>) attributes {dimension_semantics = [#tpu.dimension_semantics<core_parallel>, #tpu.dimension_semantics<subcore_parallel>], iteration_bounds = array<i64: 2, 16>, scalar_prefetch = 0 : i64, scratch_operands = 8 : i64, tpu.core_type = #tpu.core_type<sc_vector_subcore>, window_params = [{transform_indices = #map}, {transform_indices = #map}, {transform_indices = #map1}]} {
    %mul3A = arith.constant 16 : i32
    %mul3A_0 = arith.muli %arg0, %mul3A : i32
    %add3A = arith.addi %mul3A_0, %arg1 : i32
    %mul3A_1 = arith.constant 8000 : i32
    %mul3A_2 = arith.muli %add3A, %mul3A_1 : i32
    %add3A_3 = arith.constant 0 : i32
    %add3A_4 = arith.addi %add3A_3, %mul3A_2 : i32
    %dma_start3A = tpu.memref_slice %arg3[%add3A_4] : memref<320000xi32, #tpu.memory_space<hbm>> -> memref<8000xi32, #tpu.memory_space<hbm>>
    %dma_start3A_5 = tpu.memref_slice %arg3[%add3A_4] : memref<320000xi32, #tpu.memory_space<hbm>> -> memref<8000xi32, #tpu.memory_space<hbm>>
    tpu.enqueue_dma source(%dma_start3A_5 : memref<8000xi32, #tpu.memory_space<hbm>>) target(%arg5 : memref<8000xi32, #tpu.memory_space<vmem>>) target_semaphore(%arg11 : memref<!tpu.dma_semaphore, #tpu.memory_space<semaphore_mem>>)
    %dma_start3A_6 = tpu.memref_slice %arg2[%mul3A_2] : memref<256000xf32, #tpu.memory_space<hbm>> -> memref<8000xf32, #tpu.memory_space<hbm>>
    %dma_start3A_7 = tpu.memref_slice %arg2[%mul3A_2] : memref<256000xf32, #tpu.memory_space<hbm>> -> memref<8000xf32, #tpu.memory_space<hbm>>
    tpu.enqueue_dma source(%dma_start3A_7 : memref<8000xf32, #tpu.memory_space<hbm>>) target(%arg6 : memref<8000xf32, #tpu.memory_space<vmem>>) target_semaphore(%arg12 : memref<!tpu.dma_semaphore, #tpu.memory_space<semaphore_mem>>)
    %parallel_loop3A = arith.constant 0 : i32
    %parallel_loop3A_8 = arith.constant 640 : i32
    %parallel_loop3A_9 = arith.constant 1 : i32
    scf.for %parallel_loop3A_23 = %parallel_loop3A to %parallel_loop3A_8 step %parallel_loop3A_9  : i32 {
      %parallel_loop3A_24 = arith.constant 16 : i32
      %parallel_loop3A_25 = arith.muli %parallel_loop3A_23, %parallel_loop3A_24 : i32
      %parallel_loop3A_26 = tpu.assume_multiple %parallel_loop3A_25, 16 : i32
      %parallel_loop3A_27 = arith.constant 0.000000e+00 : f32
      %parallel_loop3A_28 = vector.broadcast %parallel_loop3A_27 : f32 to vector<16xf32>
      %parallel_loop3A_29 = arith.index_cast %parallel_loop3A_26 : i32 to index
      %parallel_loop3A_30 = tpu.vector_load %arg7[%parallel_loop3A_29] {strides = array<i32>} : memref<10240xf32, #tpu.memory_space<vmem>>, vector<16xf32>,
      tpu.vector_store %arg7[%parallel_loop3A_29], %parallel_loop3A_28 {strides = array<i32>} : memref<10240xf32, #tpu.memory_space<vmem>>, vector<16xf32>,
    } {sc.loop_unroll_factor = 4 : i64, sc.parallel_access}
    %dma_wait3A = tpu.memref_slice %arg3[%add3A_4] : memref<320000xi32, #tpu.memory_space<hbm>> -> memref<8000xi32, #tpu.memory_space<hbm>>
    %dma_wait3A_10 = tpu.memref_slice %arg3[%add3A_4] : memref<320000xi32, #tpu.memory_space<hbm>> -> memref<8000xi32, #tpu.memory_space<hbm>>
    tpu.wait_dma2 semaphore(%arg11 : memref<!tpu.dma_semaphore, #tpu.memory_space<semaphore_mem>>) src(%dma_wait3A_10 : memref<8000xi32, #tpu.memory_space<hbm>>) dst(%arg5 : memref<8000xi32, #tpu.memory_space<vmem>>)
    %dma_wait3A_11 = tpu.memref_slice %arg2[%mul3A_2] : memref<256000xf32, #tpu.memory_space<hbm>> -> memref<8000xf32, #tpu.memory_space<hbm>>
    %dma_wait3A_12 = tpu.memref_slice %arg2[%mul3A_2] : memref<256000xf32, #tpu.memory_space<hbm>> -> memref<8000xf32, #tpu.memory_space<hbm>>
    tpu.wait_dma2 semaphore(%arg12 : memref<!tpu.dma_semaphore, #tpu.memory_space<semaphore_mem>>) src(%dma_wait3A_12 : memref<8000xf32, #tpu.memory_space<hbm>>) dst(%arg6 : memref<8000xf32, #tpu.memory_space<vmem>>)
    %scan3A = arith.constant 0 : i32
    %scan3A_13 = arith.constant 0 : i32
    %scan3A_14 = arith.constant 100 : i32
    %scan3A_15 = arith.addi %scan3A_13, %scan3A_14 : i32
    %scan3A_16 = arith.constant 1 : i32
    scf.for %scan3A_23 = %scan3A_13 to %scan3A_15 step %scan3A_16  : i32 {
      %mul3A_24 = arith.constant 80 : i32
      %mul3A_25 = arith.muli %scan3A_23, %mul3A_24 : i32
      %multiple_of3A_26 = tpu.assume_multiple %mul3A_25, 16 : i32
      %add3A_27 = arith.constant 0 : i32
      %add3A_28 = arith.addi %multiple_of3A_26, %add3A_27 : i32
      %get3A = arith.index_cast %add3A_28 : i32 to index
      %get3A_29 = tpu.vector_load %arg5[%get3A] {strides = array<i32>} : memref<8000xi32, #tpu.memory_space<vmem>>, vector<16xi32>,
      %get3A_30 = arith.index_cast %add3A_28 : i32 to index
      %get3A_31 = tpu.vector_load %arg6[%get3A_30] {strides = array<i32>} : memref<8000xf32, #tpu.memory_space<vmem>>, vector<16xf32>,
      tpu.vector_store_idx %arg7[%get3A_29], %get3A_31 {add = true} : memref<10240xf32, #tpu.memory_space<vmem>>[vector<16xi32>], vector<16xf32>,
      %add3A_32 = arith.constant 16 : i32
      %add3A_33 = arith.addi %multiple_of3A_26, %add3A_32 : i32
      %get3A_34 = arith.index_cast %add3A_33 : i32 to index
      %get3A_35 = tpu.vector_load %arg5[%get3A_34] {strides = array<i32>} : memref<8000xi32, #tpu.memory_space<vmem>>, vector<16xi32>,
      %get3A_36 = arith.index_cast %add3A_33 : i32 to index
      %get3A_37 = tpu.vector_load %arg6[%get3A_36] {strides = array<i32>} : memref<8000xf32, #tpu.memory_space<vmem>>, vector<16xf32>,
      tpu.vector_store_idx %arg7[%get3A_35], %get3A_37 {add = true} : memref<10240xf32, #tpu.memory_space<vmem>>[vector<16xi32>], vector<16xf32>,
      %add3A_38 = arith.constant 32 : i32
      %add3A_39 = arith.addi %multiple_of3A_26, %add3A_38 : i32
      %get3A_40 = arith.index_cast %add3A_39 : i32 to index
      %get3A_41 = tpu.vector_load %arg5[%get3A_40] {strides = array<i32>} : memref<8000xi32, #tpu.memory_space<vmem>>, vector<16xi32>,
      %get3A_42 = arith.index_cast %add3A_39 : i32 to index
      %get3A_43 = tpu.vector_load %arg6[%get3A_42] {strides = array<i32>} : memref<8000xf32, #tpu.memory_space<vmem>>, vector<16xf32>,
      tpu.vector_store_idx %arg7[%get3A_41], %get3A_43 {add = true} : memref<10240xf32, #tpu.memory_space<vmem>>[vector<16xi32>], vector<16xf32>,
      %add3A_44 = arith.constant 48 : i32
      %add3A_45 = arith.addi %multiple_of3A_26, %add3A_44 : i32
      %get3A_46 = arith.index_cast %add3A_45 : i32 to index
      %get3A_47 = tpu.vector_load %arg5[%get3A_46] {strides = array<i32>} : memref<8000xi32, #tpu.memory_space<vmem>>, vector<16xi32>,
      %get3A_48 = arith.index_cast %add3A_45 : i32 to index
      %get3A_49 = tpu.vector_load %arg6[%get3A_48] {strides = array<i32>} : memref<8000xf32, #tpu.memory_space<vmem>>, vector<16xf32>,
      tpu.vector_store_idx %arg7[%get3A_47], %get3A_49 {add = true} : memref<10240xf32, #tpu.memory_space<vmem>>[vector<16xi32>], vector<16xf32>,
      %add3A_50 = arith.constant 64 : i32
      %add3A_51 = arith.addi %multiple_of3A_26, %add3A_50 : i32
      %get3A_52 = arith.index_cast %add3A_51 : i32 to index
      %get3A_53 = tpu.vector_load %arg5[%get3A_52] {strides = array<i32>} : memref<8000xi32, #tpu.memory_space<vmem>>, vector<16xi32>,
      %get3A_54 = arith.index_cast %add3A_51 : i32 to index
      %get3A_55 = tpu.vector_load %arg6[%get3A_54] {strides = array<i32>} : memref<8000xf32, #tpu.memory_space<vmem>>, vector<16xf32>,
      tpu.vector_store_idx %arg7[%get3A_53], %get3A_55 {add = true} : memref<10240xf32, #tpu.memory_space<vmem>>[vector<16xi32>], vector<16xf32>,
    }
    %scan3A_17 = arith.constant 100 : i32
    "tpu.region"() ({
      %run_scoped3A = tpu.sem_alloc : memref<!tpu.dma_semaphore, #tpu.memory_space<semaphore_mem>>
      %dma_start3A_23 = arith.constant 0 : i32
      %dma_start3A_24 = tpu.memref_slice %arg8[%arg1, %dma_start3A_23] : memref<16x10240xf32, #tpu.memory_space<vmem_shared>> -> memref<1x10240xf32, #tpu.memory_space<vmem_shared>>
      %dma_start3A_25 = tpu.memref_squeeze %dma_start3A_24 : memref<1x10240xf32, #tpu.memory_space<vmem_shared>> -> memref<10240xf32, #tpu.memory_space<vmem_shared>>
      %dma_start3A_26 = arith.constant 0 : i32
      %dma_start3A_27 = tpu.memref_slice %arg8[%arg1, %dma_start3A_26] : memref<16x10240xf32, #tpu.memory_space<vmem_shared>> -> memref<1x10240xf32, #tpu.memory_space<vmem_shared>>
      %dma_start3A_28 = tpu.memref_squeeze %dma_start3A_27 : memref<1x10240xf32, #tpu.memory_space<vmem_shared>> -> memref<10240xf32, #tpu.memory_space<vmem_shared>>
      tpu.enqueue_dma source(%arg7 : memref<10240xf32, #tpu.memory_space<vmem>>) target(%dma_start3A_28 : memref<10240xf32, #tpu.memory_space<vmem_shared>>) target_semaphore(%run_scoped3A : memref<!tpu.dma_semaphore, #tpu.memory_space<semaphore_mem>>)
      %dma_wait3A_29 = arith.constant 0 : i32
      %dma_wait3A_30 = tpu.memref_slice %arg8[%arg1, %dma_wait3A_29] : memref<16x10240xf32, #tpu.memory_space<vmem_shared>> -> memref<1x10240xf32, #tpu.memory_space<vmem_shared>>
      %dma_wait3A_31 = tpu.memref_squeeze %dma_wait3A_30 : memref<1x10240xf32, #tpu.memory_space<vmem_shared>> -> memref<10240xf32, #tpu.memory_space<vmem_shared>>
      %dma_wait3A_32 = arith.constant 0 : i32
      %dma_wait3A_33 = tpu.memref_slice %arg8[%arg1, %dma_wait3A_32] : memref<16x10240xf32, #tpu.memory_space<vmem_shared>> -> memref<1x10240xf32, #tpu.memory_space<vmem_shared>>
      %dma_wait3A_34 = tpu.memref_squeeze %dma_wait3A_33 : memref<1x10240xf32, #tpu.memory_space<vmem_shared>> -> memref<10240xf32, #tpu.memory_space<vmem_shared>>
      tpu.wait_dma2 semaphore(%run_scoped3A : memref<!tpu.dma_semaphore, #tpu.memory_space<semaphore_mem>>) src(%arg7 : memref<10240xf32, #tpu.memory_space<vmem>>) dst(%dma_wait3A_34 : memref<10240xf32, #tpu.memory_space<vmem_shared>>)
      tpu.yield
    }) : () -> ()
    %barrier3A = arith.constant 0 : index
    tpu.barrier barrier_id(%barrier3A)
    %mul3A_18 = arith.constant 640 : i32
    %mul3A_19 = arith.muli %arg1, %mul3A_18 : i32
    %multiple_of3A = tpu.assume_multiple %mul3A_19, 16 : i32
    "tpu.region"() ({
      %run_scoped3A = tpu.sem_alloc : memref<!tpu.dma_semaphore, #tpu.memory_space<semaphore_mem>>
      %dma_start3A_23 = arith.constant 0 : i32
      %dma_start3A_24 = tpu.memref_slice %arg8[%dma_start3A_23, %multiple_of3A] : memref<16x10240xf32, #tpu.memory_space<vmem_shared>> -> memref<16x640xf32, #tpu.memory_space<vmem_shared>>
      %dma_start3A_25 = arith.constant 0 : i32
      %dma_start3A_26 = tpu.memref_slice %arg8[%dma_start3A_25, %multiple_of3A] : memref<16x10240xf32, #tpu.memory_space<vmem_shared>> -> memref<16x640xf32, #tpu.memory_space<vmem_shared>>
      tpu.enqueue_dma source(%dma_start3A_26 : memref<16x640xf32, #tpu.memory_space<vmem_shared>>) target(%arg9 : memref<16x640xf32, #tpu.memory_space<vmem>>) target_semaphore(%run_scoped3A : memref<!tpu.dma_semaphore, #tpu.memory_space<semaphore_mem>>)
      %dma_wait3A_27 = arith.constant 0 : i32
      %dma_wait3A_28 = tpu.memref_slice %arg8[%dma_wait3A_27, %multiple_of3A] : memref<16x10240xf32, #tpu.memory_space<vmem_shared>> -> memref<16x640xf32, #tpu.memory_space<vmem_shared>>
      %dma_wait3A_29 = arith.constant 0 : i32
      %dma_wait3A_30 = tpu.memref_slice %arg8[%dma_wait3A_29, %multiple_of3A] : memref<16x10240xf32, #tpu.memory_space<vmem_shared>> -> memref<16x640xf32, #tpu.memory_space<vmem_shared>>
      tpu.wait_dma2 semaphore(%run_scoped3A : memref<!tpu.dma_semaphore, #tpu.memory_space<semaphore_mem>>) src(%dma_wait3A_30 : memref<16x640xf32, #tpu.memory_space<vmem_shared>>) dst(%arg9 : memref<16x640xf32, #tpu.memory_space<vmem>>)
      tpu.yield
    }) : () -> ()
    %parallel_loop3A_20 = arith.constant 0 : i32
    %parallel_loop3A_21 = arith.constant 40 : i32
    %parallel_loop3A_22 = arith.constant 1 : i32
    scf.for %parallel_loop3A_23 = %parallel_loop3A_20 to %parallel_loop3A_21 step %parallel_loop3A_22  : i32 {
      %parallel_loop3A_24 = arith.constant 16 : i32
      %parallel_loop3A_25 = arith.muli %parallel_loop3A_23, %parallel_loop3A_24 : i32
      %parallel_loop3A_26 = tpu.assume_multiple %parallel_loop3A_25, 16 : i32
      %parallel_loop3A_27 = arith.constant 0 : i32
      %parallel_loop3A_28 = arith.index_cast %parallel_loop3A_27 : i32 to index
      %parallel_loop3A_29 = arith.index_cast %parallel_loop3A_26 : i32 to index
      %parallel_loop3A_30 = tpu.vector_load %arg9[%parallel_loop3A_28, %parallel_loop3A_29] {strides = array<i32>} : memref<16x640xf32, #tpu.memory_space<vmem>>, vector<16xf32>,
      %parallel_loop3A_31 = arith.constant 1 : i32
      %parallel_loop3A_32 = arith.index_cast %parallel_loop3A_31 : i32 to index
      %parallel_loop3A_33 = arith.index_cast %parallel_loop3A_26 : i32 to index
      %parallel_loop3A_34 = tpu.vector_load %arg9[%parallel_loop3A_32, %parallel_loop3A_33] {strides = array<i32>} : memref<16x640xf32, #tpu.memory_space<vmem>>, vector<16xf32>,
      %parallel_loop3A_35 = arith.addf %parallel_loop3A_30, %parallel_loop3A_34 : vector<16xf32>
      %parallel_loop3A_36 = arith.constant 2 : i32
      %parallel_loop3A_37 = arith.index_cast %parallel_loop3A_36 : i32 to index
      %parallel_loop3A_38 = arith.index_cast %parallel_loop3A_26 : i32 to index
      %parallel_loop3A_39 = tpu.vector_load %arg9[%parallel_loop3A_37, %parallel_loop3A_38] {strides = array<i32>} : memref<16x640xf32, #tpu.memory_space<vmem>>, vector<16xf32>,
      %parallel_loop3A_40 = arith.addf %parallel_loop3A_35, %parallel_loop3A_39 : vector<16xf32>
      %parallel_loop3A_41 = arith.constant 3 : i32
      %parallel_loop3A_42 = arith.index_cast %parallel_loop3A_41 : i32 to index
      %parallel_loop3A_43 = arith.index_cast %parallel_loop3A_26 : i32 to index
      %parallel_loop3A_44 = tpu.vector_load %arg9[%parallel_loop3A_42, %parallel_loop3A_43] {strides = array<i32>} : memref<16x640xf32, #tpu.memory_space<vmem>>, vector<16xf32>,
      %parallel_loop3A_45 = arith.addf %parallel_loop3A_40, %parallel_loop3A_44 : vector<16xf32>
      %parallel_loop3A_46 = arith.constant 4 : i32
      %parallel_loop3A_47 = arith.index_cast %parallel_loop3A_46 : i32 to index
      %parallel_loop3A_48 = arith.index_cast %parallel_loop3A_26 : i32 to index
      %parallel_loop3A_49 = tpu.vector_load %arg9[%parallel_loop3A_47, %parallel_loop3A_48] {strides = array<i32>} : memref<16x640xf32, #tpu.memory_space<vmem>>, vector<16xf32>,
      %parallel_loop3A_50 = arith.addf %parallel_loop3A_45, %parallel_loop3A_49 : vector<16xf32>
      %parallel_loop3A_51 = arith.constant 5 : i32
      %parallel_loop3A_52 = arith.index_cast %parallel_loop3A_51 : i32 to index
      %parallel_loop3A_53 = arith.index_cast %parallel_loop3A_26 : i32 to index
      %parallel_loop3A_54 = tpu.vector_load %arg9[%parallel_loop3A_52, %parallel_loop3A_53] {strides = array<i32>} : memref<16x640xf32, #tpu.memory_space<vmem>>, vector<16xf32>,
      %parallel_loop3A_55 = arith.addf %parallel_loop3A_50, %parallel_loop3A_54 : vector<16xf32>
      %parallel_loop3A_56 = arith.constant 6 : i32
      %parallel_loop3A_57 = arith.index_cast %parallel_loop3A_56 : i32 to index
      %parallel_loop3A_58 = arith.index_cast %parallel_loop3A_26 : i32 to index
      %parallel_loop3A_59 = tpu.vector_load %arg9[%parallel_loop3A_57, %parallel_loop3A_58] {strides = array<i32>} : memref<16x640xf32, #tpu.memory_space<vmem>>, vector<16xf32>,
      %parallel_loop3A_60 = arith.addf %parallel_loop3A_55, %parallel_loop3A_59 : vector<16xf32>
      %parallel_loop3A_61 = arith.constant 7 : i32
      %parallel_loop3A_62 = arith.index_cast %parallel_loop3A_61 : i32 to index
      %parallel_loop3A_63 = arith.index_cast %parallel_loop3A_26 : i32 to index
      %parallel_loop3A_64 = tpu.vector_load %arg9[%parallel_loop3A_62, %parallel_loop3A_63] {strides = array<i32>} : memref<16x640xf32, #tpu.memory_space<vmem>>, vector<16xf32>,
      %parallel_loop3A_65 = arith.addf %parallel_loop3A_60, %parallel_loop3A_64 : vector<16xf32>
      %parallel_loop3A_66 = arith.constant 8 : i32
      %parallel_loop3A_67 = arith.index_cast %parallel_loop3A_66 : i32 to index
      %parallel_loop3A_68 = arith.index_cast %parallel_loop3A_26 : i32 to index
      %parallel_loop3A_69 = tpu.vector_load %arg9[%parallel_loop3A_67, %parallel_loop3A_68] {strides = array<i32>} : memref<16x640xf32, #tpu.memory_space<vmem>>, vector<16xf32>,
      %parallel_loop3A_70 = arith.addf %parallel_loop3A_65, %parallel_loop3A_69 : vector<16xf32>
      %parallel_loop3A_71 = arith.constant 9 : i32
      %parallel_loop3A_72 = arith.index_cast %parallel_loop3A_71 : i32 to index
      %parallel_loop3A_73 = arith.index_cast %parallel_loop3A_26 : i32 to index
      %parallel_loop3A_74 = tpu.vector_load %arg9[%parallel_loop3A_72, %parallel_loop3A_73] {strides = array<i32>} : memref<16x640xf32, #tpu.memory_space<vmem>>, vector<16xf32>,
      %parallel_loop3A_75 = arith.addf %parallel_loop3A_70, %parallel_loop3A_74 : vector<16xf32>
      %parallel_loop3A_76 = arith.constant 10 : i32
      %parallel_loop3A_77 = arith.index_cast %parallel_loop3A_76 : i32 to index
      %parallel_loop3A_78 = arith.index_cast %parallel_loop3A_26 : i32 to index
      %parallel_loop3A_79 = tpu.vector_load %arg9[%parallel_loop3A_77, %parallel_loop3A_78] {strides = array<i32>} : memref<16x640xf32, #tpu.memory_space<vmem>>, vector<16xf32>,
      %parallel_loop3A_80 = arith.addf %parallel_loop3A_75, %parallel_loop3A_79 : vector<16xf32>
      %parallel_loop3A_81 = arith.constant 11 : i32
      %parallel_loop3A_82 = arith.index_cast %parallel_loop3A_81 : i32 to index
      %parallel_loop3A_83 = arith.index_cast %parallel_loop3A_26 : i32 to index
      %parallel_loop3A_84 = tpu.vector_load %arg9[%parallel_loop3A_82, %parallel_loop3A_83] {strides = array<i32>} : memref<16x640xf32, #tpu.memory_space<vmem>>, vector<16xf32>,
      %parallel_loop3A_85 = arith.addf %parallel_loop3A_80, %parallel_loop3A_84 : vector<16xf32>
      %parallel_loop3A_86 = arith.constant 12 : i32
      %parallel_loop3A_87 = arith.index_cast %parallel_loop3A_86 : i32 to index
      %parallel_loop3A_88 = arith.index_cast %parallel_loop3A_26 : i32 to index
      %parallel_loop3A_89 = tpu.vector_load %arg9[%parallel_loop3A_87, %parallel_loop3A_88] {strides = array<i32>} : memref<16x640xf32, #tpu.memory_space<vmem>>, vector<16xf32>,
      %parallel_loop3A_90 = arith.addf %parallel_loop3A_85, %parallel_loop3A_89 : vector<16xf32>
      %parallel_loop3A_91 = arith.constant 13 : i32
      %parallel_loop3A_92 = arith.index_cast %parallel_loop3A_91 : i32 to index
      %parallel_loop3A_93 = arith.index_cast %parallel_loop3A_26 : i32 to index
      %parallel_loop3A_94 = tpu.vector_load %arg9[%parallel_loop3A_92, %parallel_loop3A_93] {strides = array<i32>} : memref<16x640xf32, #tpu.memory_space<vmem>>, vector<16xf32>,
      %parallel_loop3A_95 = arith.addf %parallel_loop3A_90, %parallel_loop3A_94 : vector<16xf32>
      %parallel_loop3A_96 = arith.constant 14 : i32
      %parallel_loop3A_97 = arith.index_cast %parallel_loop3A_96 : i32 to index
      %parallel_loop3A_98 = arith.index_cast %parallel_loop3A_26 : i32 to index
      %parallel_loop3A_99 = tpu.vector_load %arg9[%parallel_loop3A_97, %parallel_loop3A_98] {strides = array<i32>} : memref<16x640xf32, #tpu.memory_space<vmem>>, vector<16xf32>,
      %parallel_loop3A_100 = arith.addf %parallel_loop3A_95, %parallel_loop3A_99 : vector<16xf32>
      %parallel_loop3A_101 = arith.constant 15 : i32
      %parallel_loop3A_102 = arith.index_cast %parallel_loop3A_101 : i32 to index
      %parallel_loop3A_103 = arith.index_cast %parallel_loop3A_26 : i32 to index
      %parallel_loop3A_104 = tpu.vector_load %arg9[%parallel_loop3A_102, %parallel_loop3A_103] {strides = array<i32>} : memref<16x640xf32, #tpu.memory_space<vmem>>, vector<16xf32>,
      %parallel_loop3A_105 = arith.addf %parallel_loop3A_100, %parallel_loop3A_104 : vector<16xf32>
      %parallel_loop3A_106 = arith.index_cast %parallel_loop3A_26 : i32 to index
      %parallel_loop3A_107 = tpu.vector_load %arg10[%parallel_loop3A_106] {strides = array<i32>} : memref<640xf32, #tpu.memory_space<vmem>>, vector<16xf32>,
      tpu.vector_store %arg10[%parallel_loop3A_106], %parallel_loop3A_105 {strides = array<i32>} : memref<640xf32, #tpu.memory_space<vmem>>, vector<16xf32>,
    } {sc.loop_unroll_factor = 2 : i64, sc.parallel_access}
    "tpu.region"() ({
      %run_scoped3A = tpu.sem_alloc : memref<!tpu.dma_semaphore, #tpu.memory_space<semaphore_mem>>
      %dma_start3A_23 = tpu.memref_slice %arg4[%arg0, %multiple_of3A] : memref<2x10240xf32, #tpu.memory_space<hbm>> -> memref<1x640xf32, #tpu.memory_space<hbm>>
      %dma_start3A_24 = tpu.memref_squeeze %dma_start3A_23 : memref<1x640xf32, #tpu.memory_space<hbm>> -> memref<640xf32, #tpu.memory_space<hbm>>
      %dma_start3A_25 = tpu.memref_slice %arg4[%arg0, %multiple_of3A] : memref<2x10240xf32, #tpu.memory_space<hbm>> -> memref<1x640xf32, #tpu.memory_space<hbm>>
      %dma_start3A_26 = tpu.memref_squeeze %dma_start3A_25 : memref<1x640xf32, #tpu.memory_space<hbm>> -> memref<640xf32, #tpu.memory_space<hbm>>
      tpu.enqueue_dma source(%arg10 : memref<640xf32, #tpu.memory_space<vmem>>) target(%dma_start3A_26 : memref<640xf32, #tpu.memory_space<hbm>>) target_semaphore(%run_scoped3A : memref<!tpu.dma_semaphore, #tpu.memory_space<semaphore_mem>>)
      %dma_wait3A_27 = tpu.memref_slice %arg4[%arg0, %multiple_of3A] : memref<2x10240xf32, #tpu.memory_space<hbm>> -> memref<1x640xf32, #tpu.memory_space<hbm>>
      %dma_wait3A_28 = tpu.memref_squeeze %dma_wait3A_27 : memref<1x640xf32, #tpu.memory_space<hbm>> -> memref<640xf32, #tpu.memory_space<hbm>>
      %dma_wait3A_29 = tpu.memref_slice %arg4[%arg0, %multiple_of3A] : memref<2x10240xf32, #tpu.memory_space<hbm>> -> memref<1x640xf32, #tpu.memory_space<hbm>>
      %dma_wait3A_30 = tpu.memref_squeeze %dma_wait3A_29 : memref<1x640xf32, #tpu.memory_space<hbm>> -> memref<640xf32, #tpu.memory_space<hbm>>
      tpu.wait_dma2 semaphore(%run_scoped3A : memref<!tpu.dma_semaphore, #tpu.memory_space<semaphore_mem>>) src(%arg10 : memref<640xf32, #tpu.memory_space<vmem>>) dst(%dma_wait3A_30 : memref<640xf32, #tpu.memory_space<hbm>>)
      tpu.yield
    }) : () -> ()
    return
  }
}

module attributes {stable_mosaic.version = 14 : i64} {
  func.func @_tc_body(%arg0: i32, %arg1: memref<16000x128xf32, #tpu.memory_space<vmem>>, %arg2: memref<1x128xf32, #tpu.memory_space<vmem>>, %arg3: memref<1x1x16000xf32, #tpu.memory_space<vmem>>) attributes {dimension_semantics = [#tpu.dimension_semantics<parallel>], iteration_bounds = array<i64: 16>, scalar_prefetch = 0 : i64, scratch_operands = 0 : i64, tpu.core_type = #tpu.core_type<tc>, window_params = [{transform_indices = @transform_0, window_bounds = array<i64: 16000, 128>}, {pipeline_mode = #tpu.pipeline_mode<synchronous>, transform_indices = @transform_1, window_bounds = array<i64: 1, 128>}, {transform_indices = @transform_2, window_bounds = array<i64: 1, 1, 16000>}]} {
    %get3A = arith.constant 0 : index
    %get3A_0 = arith.constant 0 : index
    %get3A_1 = vector.load %arg1[%get3A, %get3A_0] : memref<16000x128xf32, #tpu.memory_space<vmem>>, vector<16000x128xf32>
    %get3A_2 = arith.constant 0 : index
    %get3A_3 = arith.constant 0 : index
    %get3A_4 = vector.load %arg2[%get3A_2, %get3A_3] : memref<1x128xf32, #tpu.memory_space<vmem>>, vector<1x128xf32>
    %dot_general3A = arith.constant dense<0.000000e+00> : vector<1x16000xf32>
    %dot_general3A_5 = tpu.matmul %get3A_4, %get3A_1, %dot_general3A {dimension_numbers = #tpu.dot_dimension_numbers<[1], [1], [0], [0], [0, 0, 1, 0], [], []>, transpose_lhs_hint = false} : vector<1x128xf32>, vector<16000x128xf32>, vector<1x16000xf32> -> vector<1x16000xf32>
    %exp3A = math.exp %dot_general3A_5 : vector<1x16000xf32>
    %swap3A = arith.constant 0 : index
    %swap3A_6 = arith.constant 0 : index
    %swap3A_7 = arith.constant 0 : index
    %swap3A_8 = vector.load %arg3[%swap3A, %swap3A_6, %swap3A_7] : memref<1x1x16000xf32, #tpu.memory_space<vmem>>, vector<1x1x16000xf32>
    %swap3A_9 = vector.shape_cast %swap3A_8 : vector<1x1x16000xf32> to vector<1x16000xf32>
    %swap3A_10 = vector.shape_cast %exp3A : vector<1x16000xf32> to vector<1x1x16000xf32>
    tpu.vector_store %arg3[%swap3A, %swap3A_6, %swap3A_7], %swap3A_10 {strides = array<i32>} : memref<1x1x16000xf32, #tpu.memory_space<vmem>>, vector<1x1x16000xf32>,
    return
  }
  func.func @transform_0(%arg0: i32) -> (i32, i32) {
    %add3A = arith.constant 0 : i32
    %add3A_0 = arith.addi %arg0, %add3A : i32
    %c0_i32 = arith.constant 0 : i32
    %c0_i32_1 = arith.constant 0 : i32
    return %add3A_0, %c0_i32 : i32, i32
  }
  func.func @transform_1(%arg0: i32) -> (i32, i32) {
    %c0_i32 = arith.constant 0 : i32
    %c0_i32_0 = arith.constant 0 : i32
    %c0_i32_1 = arith.constant 0 : i32
    return %c0_i32, %c0_i32_0 : i32, i32
  }
  func.func @transform_2(%arg0: i32) -> (i32, i32, i32) {
    %c0_i32 = arith.constant 0 : i32
    %c0_i32_0 = arith.constant 0 : i32
    %c0_i32_1 = arith.constant 0 : i32
    return %arg0, %c0_i32, %c0_i32_0 : i32, i32, i32
  }
}

module attributes {stable_mosaic.version = 14 : i64} {
  func.func @_tc_body(%arg0: i32, %arg1: memref<16000x128xf32, #tpu.memory_space<vmem>>, %arg2: memref<1x128xf32, #tpu.memory_space<vmem>>, %arg3: memref<1x1x16000xf32, #tpu.memory_space<vmem>>) attributes {dimension_semantics = [#tpu.dimension_semantics<parallel>], iteration_bounds = array<i64: 4>, scalar_prefetch = 0 : i64, scratch_operands = 0 : i64, tpu.core_type = #tpu.core_type<tc>, window_params = [{transform_indices = @transform_0, window_bounds = array<i64: 16000, 128>}, {pipeline_mode = #tpu.pipeline_mode<synchronous>, transform_indices = @transform_1, window_bounds = array<i64: 1, 128>}, {transform_indices = @transform_2, window_bounds = array<i64: 1, 1, 16000>}]} {
    %get3A = arith.constant 0 : index
    %get3A_0 = arith.constant 0 : index
    %get3A_1 = vector.load %arg1[%get3A, %get3A_0] : memref<16000x128xf32, #tpu.memory_space<vmem>>, vector<16000x128xf32>
    %get3A_2 = arith.constant 0 : index
    %get3A_3 = arith.constant 0 : index
    %get3A_4 = vector.load %arg2[%get3A_2, %get3A_3] : memref<1x128xf32, #tpu.memory_space<vmem>>, vector<1x128xf32>
    %dot_general3A = arith.constant dense<0.000000e+00> : vector<1x16000xf32>
    %dot_general3A_5 = tpu.matmul %get3A_4, %get3A_1, %dot_general3A {dimension_numbers = #tpu.dot_dimension_numbers<[1], [1], [0], [0], [0, 0, 1, 0], [], []>, transpose_lhs_hint = false} : vector<1x128xf32>, vector<16000x128xf32>, vector<1x16000xf32> -> vector<1x16000xf32>
    %exp3A = math.exp %dot_general3A_5 : vector<1x16000xf32>
    %swap3A = arith.constant 0 : index
    %swap3A_6 = arith.constant 0 : index
    %swap3A_7 = arith.constant 0 : index
    %swap3A_8 = vector.load %arg3[%swap3A, %swap3A_6, %swap3A_7] : memref<1x1x16000xf32, #tpu.memory_space<vmem>>, vector<1x1x16000xf32>
    %swap3A_9 = vector.shape_cast %swap3A_8 : vector<1x1x16000xf32> to vector<1x16000xf32>
    %swap3A_10 = vector.shape_cast %exp3A : vector<1x16000xf32> to vector<1x1x16000xf32>
    tpu.vector_store %arg3[%swap3A, %swap3A_6, %swap3A_7], %swap3A_10 {strides = array<i32>} : memref<1x1x16000xf32, #tpu.memory_space<vmem>>, vector<1x1x16000xf32>,
    return
  }
  func.func @transform_0(%arg0: i32) -> (i32, i32) {
    %add3A = arith.constant 16 : i32
    %add3A_0 = arith.addi %arg0, %add3A : i32
    %c0_i32 = arith.constant 0 : i32
    %c0_i32_1 = arith.constant 0 : i32
    return %add3A_0, %c0_i32 : i32, i32
  }
  func.func @transform_1(%arg0: i32) -> (i32, i32) {
    %c0_i32 = arith.constant 0 : i32
    %c0_i32_0 = arith.constant 0 : i32
    %c0_i32_1 = arith.constant 0 : i32
    return %c0_i32, %c0_i32_0 : i32, i32
  }
  func.func @transform_2(%arg0: i32) -> (i32, i32, i32) {
    %c0_i32 = arith.constant 0 : i32
    %c0_i32_0 = arith.constant 0 : i32
    %c0_i32_1 = arith.constant 0 : i32
    return %arg0, %c0_i32, %c0_i32_0 : i32, i32, i32
  }
}

</mosaic_0001>

<sc_bundles>
// kernel: kernel.6.cloned.1.call-start
scs
__scs_entry_jumppad:
0x0: {  	(pc) =	sbr.rel $0x88, $3  }
0x1: {  	(tag) =	ssettag $0x0;
	lr =	simm.s32 $0x1  }
0x2: {  	[smem:$0x3F9E] =	sst lr;
	_ =	strace $0xD0000000  }
0x3: {  	_ = 	snop  }
0x4: {  	_ = 	snop  }
0x5: {  	_ = 	snop  }
0x6: {  	_ = 	snop  }
0x7: {  	_ = 	snop  }
__scs_overlays_trampoline_lowered:
0x8: {  	[smem:$0x3FAD] =	sst s0  }
0x9: {  	[smem:$0x3FAE] =	sst s1  }
0xa: {  	[smem:$0x3FAF] =	sst s2  }
0xb: {  	[smem:$0x3FB0] =	sst s3  }
0xc: {  	[smem:$0x3FB1] =	sst s4  }
0xd: {  	[smem:$0x3FB2] =	sst s5  }
0xe: {  	[smem:$0x3FB3] =	sst s6  }
0xf: {  	[smem:$0x3FB4] =	sst s7  }
0x10: {  	[smem:$0x3FB5] =	sst s8  }
0x11: {  	[smem:$0x3FB6] =	sst s9;
	s0 =	simm.s32 @!p0 $0x0  }
0x12: {  	s1 =	sld [smem:$0x3F9C];
	s0 =	simm.s32 @p0 $0x1  }
0x13: {  	[smem:$0x3FB7] =	sst s0;
	s0 =	simm.s32 @!p1 $0x0  }
0x14: {  	s2 =	sld [smem:$0x3F9B];
	s0 =	simm.s32 @p1 $0x1  }
0x15: {  	[smem:$0x3FB8] =	sst s0;
	s0 =	simm.s32 @!p2 $0x0  }
0x16: {  	s3 =	sld [smem:$0x3FDB];
	s0 =	simm.s32 @p2 $0x1  }
0x17: {  	s4 =	simm.s32 $0x1BF5;
	[smem:$0x3FBA] =	sst s0  }
0x18: {  	s0 =	sld [smem:$0x3F9D];
	_ =	swait.ge [sflag:s4], $0x0  }
0x19: {  	s7 =	sld [smem:$0x3F9E]  }
0x1a: {  	s8 =	sadd.s32 $0xFFFFE003, lr  }
0x1b: {  	s9 =	sadd.s32 $0xFFFFFEF7, lr;
	s5 =	simm.s32 $0xFFFFFFFF;
	p2 =	slt.u32 s8, $0xFFFFF086  }
0x1c: {  	p1 =	slt.u32 s9, $0xF7A;
	s5 =	simm.s32 @!p2 $0x0  }
0x1d: {  	s5 =	simm.s32 @p1 $0x1;
	p0 =	seq.s32 s7, s2  }
0x1e: {  	s7 =	smul.u32 @!p0 $0xF7A, s2;
	p2 =	seq.s32 @!p0 s5, $0x0  }
0x1f: {  	s9 =	smul.u32 $0xF7A, s1;
	s8 =	simm.s32 @!p0 $0x1BF5;
	p2 =	por !p2, p0  }
0x20: {  	[sflag:s8] =	ssyncset.s32 @!p0 $0xFFFFF086;
	s6 =	sadd.s32 @!p0 s3, s7;
	s7 =	simm.s32 @!p0 $0x108  }
0x21: {  	s3 =	sadd.s32 s3, s9;
	s6 =	sadd.s32 @!p0 $0x88, s6;
	s7 =	simm.s32 @p2 $0x1082  }
0x22: {  	[simem:s7], [sflag:s8] =	dma.local @!p0 [hbm:s6], $0xF7A  }
0x23: {  	s9 =	sor.u32 $0xD0000000, s2;
	s6 =	simm.s32 $0x108;
	_ =	swait.ge @!p0 [sflag:s8], $0x0  }
0x24: {  	s3 =	sadd.s32 $0x88, s3;
	s6 =	simm.s32 @!p1 $0x1082;
	[sflag:s4] =	ssyncset.s32 $0xFFFFF086  }
0x25: {  	[simem:s6], [sflag:s4] =	dma.local [hbm:s3], $0xF7A  }
0x26: {  	[smem:$0x3F9E] =	sst s1;
	(tag) =	ssettag s2;
	_ =	strace s9  }
0x27: {  	s1 =	sld [smem:$0x3FAE]  }
0x28: {  	s2 =	sld [smem:$0x3FAF]  }
0x29: {  	s4 =	sld [smem:$0x3FB1]  }
0x2a: {  	p0 =	seq.s32 s5, $0x0;
	s5 =	sld [smem:$0x3FB2]  }
0x2b: {  	s6 =	sld [smem:$0x3FB3]  }
0x2c: {  	s7 =	sld [smem:$0x3FB4]  }
0x2d: {  	s3 =	simm.s32 $0x108;
	s8 =	sld [smem:$0x3FB5]  }
0x2e: {  	s3 =	simm.s32 @!p0 $0x1082;
	s9 =	sld [smem:$0x3FB6]  }
0x2f: {  	lr =	sadd.s32 s0, s3;
	s0 =	sld [smem:$0x3FAD]  }
0x30: {  	s3 =	sld [smem:$0x3FB0]  }
0x31: {  	[smem:$0x3FB9] =	sst s10  }
0x32: {  	s10 =	sld [smem:$0x3FB7];
	_ =	sdelay $0x3  }
0x33: {  	p0 =	seq.s32 s10, $0x1;
	s10 =	sld [smem:$0x3FB9];
	_ =	sdelay $0x3  }
0x34: {  	[smem:$0x3FB9] =	sst s10  }
0x35: {  	s10 =	sld [smem:$0x3FB8];
	_ =	sdelay $0x3  }
0x36: {  	p1 =	seq.s32 s10, $0x1;
	s10 =	sld [smem:$0x3FB9];
	_ =	sdelay $0x3  }
0x37: {  	[smem:$0x3FB9] =	sst s10  }
0x38: {  	s10 =	sld [smem:$0x3FBA]  }
0x39: {  	_ = 	snop;
	(pc) =	sbr.ind lr, $3  }
0x3a: {  	_ = 	snop  }
0x3b: {  	_ = 	snop  }
0x3c: {  	p2 =	seq.s32 s10, $0x1;
	s10 =	sld [smem:$0x3FB9]  }
0x3d: {  	_ =	shalt  }
0x3e: {  	_ =	shalt  }
0x3f: {  	_ =	shalt  }
0x40: {  	_ =	shalt  }
0x41: {  	_ =	shalt  }
0x42: {  	_ =	shalt  }
0x43: {  	_ =	shalt  }
0x44: {  	_ =	shalt  }
0x45: {  	_ =	shalt  }
0x46: {  	_ =	shalt  }
0x47: {  	_ =	shalt  }
0x48: {  	_ =	shalt  }
0x49: {  	_ =	shalt  }
0x4a: {  	_ =	shalt  }
0x4b: {  	_ =	shalt  }
0x4c: {  	_ =	shalt  }
0x4d: {  	_ =	shalt  }
0x4e: {  	_ =	shalt  }
0x4f: {  	_ =	shalt  }
0x50: {  	_ =	shalt  }
0x51: {  	_ =	shalt  }
0x52: {  	_ =	shalt  }
0x53: {  	_ =	shalt  }
0x54: {  	_ =	shalt  }
0x55: {  	_ =	shalt  }
0x56: {  	_ =	shalt  }
0x57: {  	_ =	shalt  }
0x58: {  	_ =	shalt  }
0x59: {  	_ =	shalt  }
0x5a: {  	_ =	shalt  }
0x5b: {  	_ =	shalt  }
0x5c: {  	_ =	shalt  }
0x5d: {  	_ =	shalt  }
0x5e: {  	_ =	shalt  }
0x5f: {  	_ =	shalt  }
0x60: {  	_ =	shalt  }
0x61: {  	_ =	shalt  }
0x62: {  	_ =	shalt  }
0x63: {  	_ =	shalt  }
0x64: {  	_ =	shalt  }
0x65: {  	_ =	shalt  }
0x66: {  	_ =	shalt  }
0x67: {  	_ =	shalt  }
0x68: {  	_ =	shalt  }
0x69: {  	_ =	shalt  }
0x6a: {  	_ =	shalt  }
0x6b: {  	_ =	shalt  }
0x6c: {  	_ =	shalt  }
0x6d: {  	_ =	shalt  }
0x6e: {  	_ =	shalt  }
0x6f: {  	_ =	shalt  }
0x70: {  	_ =	shalt  }
0x71: {  	_ =	shalt  }
0x72: {  	_ =	shalt  }
0x73: {  	_ =	shalt  }
0x74: {  	_ =	shalt  }
0x75: {  	_ =	shalt  }
0x76: {  	_ =	shalt  }
0x77: {  	_ =	shalt  }
0x78: {  	_ =	shalt  }
0x79: {  	_ =	shalt  }
0x7a: {  	_ =	shalt  }
0x7b: {  	_ =	shalt  }
0x7c: {  	_ =	shalt  }
0x7d: {  	_ =	shalt  }
0x7e: {  	_ =	shalt  }
0x7f: {  	_ =	shalt  }
0x80: {  	_ =	shalt  }
0x81: {  	_ =	shalt  }
0x82: {  	_ =	shalt  }
0x83: {  	_ =	shalt  }
0x84: {  	_ =	shalt  }
0x85: {  	_ =	shalt  }
0x86: {  	_ =	shalt  }
0x87: {  	_ =	shalt  }
.Lfunc_end0:
.L_simem_size_0:
called_computation_lowered:
.L_overlay_start_0:
0x88: {  	s2 =	sld [smem:$0x3FD9]  }
0x89: {  	s3 =	sld [smem:$0x3FFE];
	_ =	sdelay $0x1  }
0x8a: {  	s1 =	srdreg.scid  }
0x8b: {  	s0 =	sand.u32 $0x1, s1  }
0x8c: {  	s17 =	sshll.u32 s0, $0xA;
	s2 =	sadd.s32 s3, s2  }
0x8d: {  	s2 =	sadd.s32 s2, s17  }
0x8e: {  	[smem:$0x3FC5] =	sst s2  }
0x8f: {  	_ = 	snop  }
0x90: {  	s2 =	sld [smem:$0x3FC8]  }
0x91: {  	s18 =	sld [smem:$0x3FD0];
	(tm) =	ssettm $0x1  }
0x92: {  	s4 =	sld [smem:$0x3FFB];
	_ =	sdelay $0x3  }
0x93: {  	_ =	strace s4  }
0x94: {  	s4 =	sld [smem:$0x3FFC];
	_ =	sdelay $0x3  }
0x95: {  	_ =	strace s4  }
0x96: {  	s4 =	sld [smem:$0x3FFD];
	_ =	sdelay $0x3  }
0x97: {  	_ =	strace s4  }
0x98: {  	_ =	strace $0x8FFFFFFF  }
0x99: {  	s19 =	sld [smem:$0x3FDB];
	_ =	sdelay $0x1  }
0x9a: {  	s5 =	simm.s32 $_scs_section_size  }
0x9b: {  	s6 =	simm.s32 $_size__tile_overlayer_lowered;
	s7 =	simm.s32 $_tile_overlayer_lowered  }
0x9c: {  	s22 =	simm.s32 $0x1BFF;
	s21 =	sshll.u32 s7, $0x1;
	s4 =	sadd.s32 s5, s19  }
0x9d: {  	s8 =	simm.s32 $0x0;
	s20 =	sshll.u32 s6, $0x1;
	s6 =	sadd.s32 s21, s4  }
0x9e: {  	[timem:s8], [sflag:s22] =	dma.local [hbm:s6], s20  }
0x9f: {  	_ =	swait.ge [sflag:s22], s20  }
0xa0: {  	s5 =	ssub.s32 $0x0, s20;
	[sflag:s22] =	ssyncset.done $0x0  }
0xa1: {  	[sflag:s22] =	ssyncadd.s32 s5;
	_ =	sdelay $0x1  }
0xa2: {  	s23 =	simm.s32 $0x1B8B  }
0xa3: {  	_ =	swait.ge [sflag:s23], $0x1  }
0xa4: {  	[sflag:s23] =	ssyncset.done $0x0  }
0xa5: {  	s25 =	simm.s32 $0x1B8E;
	s24 =	sld [smem:$0x3FFE];
	[sflag:s23] =	ssyncadd.s32 $0xFFFFFFFF  }
0xa6: {  	s26 =	simm.s32 $execute0_lowered;
	[smem:$0x3FD2] =	sst s25  }
0xa7: {  	s6 =	sshll.u32 s26, $0x1;
	_ =	strace $0x80000046;
	[dreg:$0x1] =	wrdreg $0xFFFFFFFF  }
0xa8: {  	s28 =	simm.s32 $_size_execute0_lowered;
	s4 =	sadd.s32 s4, s6;
	[dreg:$0x0] =	wrdreg $0x0  }
0xa9: {  	s6 =	sshll.u32 s28, $0x1;
	[dreg:$0x2] =	wrdreg s4  }
0xaa: {  	[dreg:$0x3] =	wrdreg s6  }
0xab: {  	[dreg:$0x4] =	wrdreg $0xC0  }
0xac: {  	_ =	task [dreg:s8], $0x5FFFF  }
0xad: {  	[dreg:$0x1] =	wrdreg $0xFFFFFFFF  }
0xae: {  	[dreg:$0x0] =	wrdreg $0x60  }
0xaf: {  	[dreg:$0x2] =	wrdreg s18  }
0xb0: {  	[dreg:$0x3] =	wrdreg s2  }
0xb1: {  	[dreg:$0x4] =	wrdreg s24  }
0xb2: {  	[dreg:$0x5] =	wrdreg $0x67000  }
0xb3: {  	[dreg:$0x6] =	wrdreg $0x9  }
0xb4: {  	_ =	task.clear_ibuf [dreg:s8], $0x7FFFF;
	_ =	strace $0x90000046  }
0xb5: {  	s29 =	simm.s32 $0x9;
	_ =	strace $0x80000048  }
0xb6: {  	_ =	swait.ge [sflag:s29], $0x1  }
0xb7: {  	[sflag:s29] =	ssyncadd.s32 $0xFFFFFFFF  }
0xb8: {  	_ =	strace $0x90000048  }
0xb9: {  	_ =	sfence  }
0xba: {  	s30 =	sld [smem:$0x0];
	_ =	sdelay $0x2  }
0xbb: {  	s31 =	sshll.u32 s1, $0xD;
	s1 =	sshrl.u32 s1, $0x2  }
0xbc: {  	s3 =	sand.u32 $0x4000, s31;
	s1 =	sadd.s32 s1, s30  }
0xbd: {  	s0 =	sor.u32 s3, s0;
	s1 =	sshll.u32 s1, $0x11  }
0xbe: {  	s0 =	sor.u32 s1, s0  }
0xbf: {  	s0 =	sadd.s32 $0x8F2B, s0  }
0xc0: {  	[sflag:s0] =	ssyncadd.remote.s32 $0x1  }
0xc1: {  	_ =	sfence.sel $0xFFFF  }
0xc2: {  	[dreg:$0x0] =	wrdreg $0xFFFFFFFF;
	(pc) =	sbr.abs _section_cstart, $3  }
0xc3: {  	[dreg:$0x1] =	wrdreg $0xFFFFFFFF  }
0xc4: {  	_ =	task.clear_ibuf [dreg:s8], $0x2FFFF;
	_ =	strace $0x9FFFFFFF  }
0xc5: {  	(tm) =	ssettm $0x7FFFFFFF  }
tec
execute0_lowered:
.L_overlay_start_1:
0x0: {  	(tag) =	ssettag $0x1  }
0x1: {  	s0 =	rddreg [dreg:$0x0]  }
0x2: {  	s1 =	rddreg [dreg:$0x1]  }
0x3: {  	s3 =	rddreg [dreg:$0x2]  }
0x4: {  	s6 =	rddreg [dreg:$0x3]  }
0x5: {  	s4 =	srdreg.scid;
	s11 =	stileid.u32;
	s2 =	simm.s32 $0x0  }
0x6: {  	s12 =	simm.s32 $0x3F00;
	s13 =	simm.s32 $0x80;
	s15 =	simm.s32 $0x3  }
0x7: {  	s16 =	simm.s32 $0x1400;
	s17 =	simm.s32 $0x14000;
	s18 =	simm.s32 $0x8F00  }
0x8: {  	s19 =	simm.s32 $0x100;
	s20 =	simm.s32 $0xB700;
	s21 =	simm.s32 $0x0  }
0x9: {  	s4 =	sand.u32 $0x1, s4;
	s5 =	smul.u32 $0x500, s11;
	[smem:$0x7FF] =	sst s2  }
0xa: {  	s26 =	sshrl.u32 s11, $0x3;
	s28 =	smul.u32 $0x5000, s11;
	s29 =	sshll.u32 s11, $0x7  }
0xb: {  	s7 =	sshll.u32 s4, $0x7;
	s8 =	sshll.u32 s4, $0x4;
	_ =	strace $0x80000047  }
0xc: {  	s4 =	ssub.s32 $0x2, s4;
	s5 =	sor.u32 s7, s5;
	s25 =	sor.u32 s11, s8  }
0xd: {  	s9 =	sshrl.u32 s4, $0x1;
	s8 =	smul.u32 $0x50000, s26;
	s31 =	sshrl.u32 s28, $0x2  }
0xe: {  	s11 =	simm.s32 $0x2;
	s7 =	smul.u32 $0x3E8, s25;
	s5 =	sshrl.u32 s5, $0x3  }
0xf: {  	s9 =	ssub.s32 s4, s9;
	s10 =	sadd.s32 s5, s3;
	s30 =	sshrl.u32 s8, $0x2  }
0x10: {  	s8 =	smax.u32 s9, $0x1;
	s3 =	sadd.s32 s1, s7;
	s1 =	sand.u32 $0x380, s29  }
0x11: {  	s5 =	sadd.s32 s30, s6;
	s4 =	sadd.s32 s0, s7;
	s6 =	sadd.s32 s31, s6  }
0x12: {  	v0 =	vimm.f32 $0.0e+00;
	s7 =	sadd.s32 $0x800, s10;
	s10 =	simm.s32 $0x1;
	s5 =	sadd.s32 s1, s5  }
.LBB2_1:
0x13: {  	[tilespmem:s2], [sflag:$0x1] =	stream.linear.gather [hbm4b:s3+s2], $0x1F40, $0x38;
	[tilespmem:$0xB980] =	vst v63  }
0x14: {  	s0 =	simm.s32 $0x1F80  }
0x15: {  	[tilespmem:s0], [sflag:$0x2] =	stream.linear.gather [hbm4b:s4+s2], $0x1F40, $0x38;
	[tilespmem:$0xB980] =	vst v63  }
0x16: {  	s0 =	simm.s32 $0x3F20  }
0x17: {  	[tilespmem:s0+$0xFFFFFFE0] =	vst v0  }
0x18: {  	[tilespmem:s0+$0x10] =	vst v0  }
0x19: {  	s1 =	simm.s32 $0x0;
	[tilespmem:s0+$0x0] =	vst v0  }
.LBB2_2:
0x1a: {  	s1 =	sadd.s32 $0x4, s1  }
0x1b: {  	[tilespmem:s0+$0xFFFFFFF0] =	vst v0;
	s0 =	sadd.s32 $0x40, s0;
	p0 =	slt.u32 s1, $0x27C  }
.Ltmp0:
0x1c: {  	[tilespmem:s0+$0xFFFFFFE0] =	vst v0;
	(pc) =	sbr.rel @p0 .LBB2_2-.Ltmp0, $3  }
0x1d: {  	_ =	sdelay $0x1  }
0x1e: {  	[tilespmem:s0+$0x10] =	vst v0  }
0x1f: {  	[tilespmem:s0+$0x0] =	vst v0  }
0x20: {  	[tilespmem:s0+$0xFFFFFFF0] =	vst v0  }
0x21: {  	_ =	swait.ge [sflag:s10], $0x1F40  }
0x22: {  	[sflag:s10] =	ssyncset.done $0x0  }
0x23: {  	[sflag:s10] =	ssyncadd.s32 $0xFFFFE0C0  }
0x24: {  	_ =	swait.ge [sflag:s11], $0x1F40  }
0x25: {  	[sflag:s11] =	ssyncset.done $0x0  }
0x26: {  	s0 =	simm.s32 $0x0;
	[sflag:s11] =	ssyncadd.s32 $0xFFFFE0C0  }
.LBB2_4:
0x27: {  	s1 =	sshra.s32 s0, $0x2  }
0x28: {  	v1 =	vld [tilespmem:s1+$0x0];
	_ =	sdelay $0x2  }
0x29: {  	v2 =	vld [tilespmem:s1+$0x1F80];
	_ =	sdelay $0x4  }
0x2a: {  	[tilespmem:v1+s12+$0x0] =	vst.idx.add.f32.msk $0xffff, v2  }
0x2b: {  	v1 =	vld [tilespmem:s1+$0x10];
	_ =	sdelay $0x2  }
0x2c: {  	v2 =	vld [tilespmem:s1+$0x1F90];
	_ =	sdelay $0x4  }
0x2d: {  	[tilespmem:v1+s12+$0x0] =	vst.idx.add.f32.msk $0xffff, v2  }
0x2e: {  	v1 =	vld [tilespmem:s1+$0x20];
	_ =	sdelay $0x2  }
0x2f: {  	v2 =	vld [tilespmem:s1+$0x1FA0];
	_ =	sdelay $0x4  }
0x30: {  	[tilespmem:v1+s12+$0x0] =	vst.idx.add.f32.msk $0xffff, v2  }
0x31: {  	v1 =	vld [tilespmem:s1+$0x30];
	_ =	sdelay $0x2  }
0x32: {  	v2 =	vld [tilespmem:s1+$0x1FB0];
	_ =	sdelay $0x4  }
0x33: {  	[tilespmem:v1+s12+$0x0] =	vst.idx.add.f32.msk $0xffff, v2  }
0x34: {  	v1 =	vld [tilespmem:s1+$0x40];
	_ =	sdelay $0x2  }
0x35: {  	p0 =	sne.s32 s0, $0x7BC0;
	v2 =	vld [tilespmem:s1+$0x1FC0]  }
.Ltmp1:
0x36: {  	_ = 	snop;
	(pc) =	sbr.rel @p0 .LBB2_4-.Ltmp1, $2  }
0x37: {  	_ =	sdelay $0x2  }
0x38: {  	s0 =	sadd.s32 $0x140, s0;
	[tilespmem:v1+s12+$0x0] =	vst.idx.add.f32.msk $0xffff, v2  }
0x39: {  	s0 =	simm.s32 $0x400  }
0x3a: {  	[spmem:s5] =	stream.strided.scatter [tilespmem:s12], [sflag:$0x3], $0x2800, s0, s13, $0x38;
	[tilespmem:$0xB980] =	vst v63  }
0x3b: {  	_ =	swait.ge [sflag:s15], $0x2800  }
0x3c: {  	[sflag:s15] =	ssyncset.done $0x0  }
0x3d: {  	[sflag:s15] =	ssyncadd.s32 $0xFFFFD800  }
0x3e: {  	s28 =	simm.s32 $0x0;
	[bflag:$0x0] =	sbarrier.arrive $0xFFFF  }
0x3f: {  	[tilespmem:s18], [sflag:$0x3] =	stream.strided.gather [spmem:s6], $0x2800, s17, s16, $0x38;
	[tilespmem:$0xB980] =	vst v63  }
0x40: {  	s23 =	sand.u32 $0x60, s28;
	s0 =	sand.u32 $0x1C00, s28;
	_ =	swait.ge [sflag:s15], $0x2800  }
0x41: {  	s1 =	sadd.s32 $0x8F00, s0;
	s26 =	sor.u32 $0x10, s23;
	[sflag:s15] =	ssyncset.done $0x0  }
0x42: {  	s22 =	sor.u32 s26, s1;
	[sflag:s15] =	ssyncadd.s32 $0xFFFFD800  }
0x43: {  	v1 =	vld [tilespmem:s22+$0x0]  }
0x44: {  	s1 =	sor.u32 s23, s1;
	v2 =	vld [tilespmem:s22+$0x80]  }
0x45: {  	v3 =	vld [tilespmem:s1+$0x0]  }
0x46: {  	v4 =	vld [tilespmem:s22+$0x100]  }
0x47: {  	v5 =	vld [tilespmem:s1+$0x80]  }
0x48: {  	v6 =	vld [tilespmem:s22+$0x180]  }
0x49: {  	v7 =	vld [tilespmem:s1+$0x100]  }
0x4a: {  	v8 =	vld [tilespmem:s22+$0x200]  }
0x4b: {  	v9 =	vld [tilespmem:s1+$0x180]  }
0x4c: {  	v10 =	vld [tilespmem:s22+$0x280]  }
0x4d: {  	v11 =	vld [tilespmem:s1+$0x200]  }
0x4e: {  	v12 =	vld [tilespmem:s22+$0x300]  }
0x4f: {  	v13 =	vld [tilespmem:s1+$0x280]  }
0x50: {  	s24 =	sor.u32 $0xA300, s0;
	v14 =	vld [tilespmem:s22+$0x380]  }
0x51: {  	s14 =	sor.u32 s26, s24;
	v15 =	vld [tilespmem:s1+$0x300]  }
0x52: {  	v16 =	vld [tilespmem:s14+$0x0]  }
0x53: {  	s30 =	sor.u32 s23, s24;
	s24 =	sadd.s32 $0xA400, s0;
	v17 =	vld [tilespmem:s1+$0x380]  }
0x54: {  	s25 =	sor.u32 $0xA380, s0;
	s9 =	sor.u32 s26, s24;
	v19 =	vld [tilespmem:s30+$0x0]  }
0x55: {  	s22 =	sor.u32 s26, s25;
	v20 =	vld [tilespmem:s9+$0x0]  }
0x56: {  	s14 =	sor.u32 s23, s25;
	v18 =	vld [tilespmem:s22+$0x0]  }
0x57: {  	s25 =	sadd.s32 $0xA480, s0;
	s9 =	sor.u32 s23, s24;
	v21 =	vld [tilespmem:s14+$0x0]  }
0x58: {  	s30 =	sor.u32 s26, s25;
	v23 =	vld [tilespmem:s9+$0x0]  }
0x59: {  	s14 =	sadd.s32 $0xA500, s0;
	s25 =	sor.u32 s23, s25;
	v22 =	vld [tilespmem:s30+$0x0]  }
0x5a: {  	s22 =	sor.u32 s26, s14;
	v25 =	vld [tilespmem:s25+$0x0]  }
0x5b: {  	s30 =	sadd.s32 $0xA580, s0;
	s14 =	sor.u32 s23, s14;
	v24 =	vld [tilespmem:s22+$0x0]  }
0x5c: {  	s24 =	sadd.s32 $0xA600, s0;
	s9 =	sor.u32 s26, s30;
	v27 =	vld [tilespmem:s14+$0x0]  }
0x5d: {  	s22 =	sor.u32 s26, s24;
	v26 =	vld [tilespmem:s9+$0x0]  }
0x5e: {  	s0 =	sadd.s32 $0xA680, s0;
	s30 =	sor.u32 s23, s30;
	v28 =	vld [tilespmem:s22+$0x0]  }
0x5f: {  	s14 =	simm.s32 $0x100;
	v29 =	vld [tilespmem:s30+$0x0];
	s9 =	sor.u32 s26, s0;
	s22 =	simm.s32 $0x20;
	v1 =	vadd.f32 v2, v1  }
0x60: {  	s30 =	sor.u32 s23, s24;
	s29 =	sand.u32 $0x1C00, s14;
	v2 =	vadd.f32 v5, v3;
	s24 =	sand.u32 $0x60, s22;
	v3 =	vld [tilespmem:s9+$0x0]  }
0x61: {  	s0 =	sor.u32 s23, s0;
	s25 =	sadd.s32 $0x8F00, s29;
	v5 =	vld [tilespmem:s30+$0x0];
	s23 =	sor.u32 $0x10, s24;
	v1 =	vadd.f32 v4, v1  }
0x62: {  	v2 =	vadd.f32 v7, v2;
	s9 =	sor.u32 s23, s25;
	v4 =	vld [tilespmem:s0+$0x0]  }
0x63: {  	v7 =	vld [tilespmem:s9+$0x0];
	v1 =	vadd.f32 v6, v1  }
0x64: {  	s0 =	sor.u32 s24, s25;
	v2 =	vadd.f32 v9, v2;
	v6 =	vld [tilespmem:s9+$0x80]  }
0x65: {  	v45 =	vld [tilespmem:s0+$0x0];
	v1 =	vadd.f32 v8, v1  }
0x66: {  	v2 =	vadd.f32 v11, v2;
	v8 =	vld [tilespmem:s9+$0x100]  }
0x67: {  	v46 =	vld [tilespmem:s0+$0x80];
	v1 =	vadd.f32 v10, v1  }
0x68: {  	v47 =	vld [tilespmem:s9+$0x180];
	v2 =	vadd.f32 v13, v2  }
0x69: {  	v6 =	vadd.f32 v6, v7;
	v7 =	vld [tilespmem:s0+$0x100];
	v1 =	vadd.f32 v12, v1  }
0x6a: {  	v48 =	vld [tilespmem:s9+$0x200];
	v2 =	vadd.f32 v15, v2  }
0x6b: {  	v6 =	vadd.f32 v8, v6;
	v8 =	vld [tilespmem:s0+$0x180];
	v1 =	vadd.f32 v14, v1  }
0x6c: {  	v49 =	vld [tilespmem:s9+$0x280];
	v9 =	vadd.f32 v46, v45;
	v2 =	vadd.f32 v17, v2  }
0x6d: {  	v50 =	vld [tilespmem:s0+$0x200];
	v6 =	vadd.f32 v47, v6;
	v1 =	vadd.f32 v16, v1  }
0x6e: {  	v51 =	vld [tilespmem:s9+$0x300];
	v2 =	vadd.f32 v19, v2;
	v7 =	vadd.f32 v7, v9  }
0x6f: {  	v52 =	vld [tilespmem:s0+$0x280];
	v6 =	vadd.f32 v48, v6;
	v1 =	vadd.f32 v18, v1  }
0x70: {  	s1 =	sor.u32 $0xA300, s29;
	v53 =	vld [tilespmem:s9+$0x380];
	v2 =	vadd.f32 v21, v2;
	v7 =	vadd.f32 v8, v7  }
0x71: {  	s14 =	sor.u32 s23, s1;
	v8 =	vld [tilespmem:s0+$0x300];
	v6 =	vadd.f32 v49, v6;
	v1 =	vadd.f32 v20, v1  }
0x72: {  	v54 =	vld [tilespmem:s14+$0x0];
	s9 =	sor.u32 $0xA380, s29;
	v2 =	vadd.f32 v23, v2;
	v7 =	vadd.f32 v50, v7  }
0x73: {  	v55 =	vld [tilespmem:s0+$0x380];
	s14 =	sor.u32 s23, s9;
	v6 =	vadd.f32 v51, v6;
	v1 =	vadd.f32 v22, v1  }
0x74: {  	s1 =	sor.u32 s24, s1;
	s25 =	sadd.s32 $0xA400, s29;
	v56 =	vld [tilespmem:s14+$0x0];
	v2 =	vadd.f32 v25, v2;
	v7 =	vadd.f32 v52, v7  }
0x75: {  	v57 =	vld [tilespmem:s1+$0x0];
	s1 =	sor.u32 s23, s25;
	v6 =	vadd.f32 v53, v6;
	v1 =	vadd.f32 v24, v1  }
0x76: {  	s30 =	sadd.s32 $0xA480, s29;
	v58 =	vld [tilespmem:s1+$0x0];
	s9 =	sor.u32 s24, s9;
	v2 =	vadd.f32 v27, v2;
	v7 =	vadd.f32 v8, v7  }
0x77: {  	s14 =	sor.u32 s23, s30;
	v8 =	vld [tilespmem:s9+$0x0];
	v6 =	vadd.f32 v54, v6;
	v1 =	vadd.f32 v26, v1  }
0x78: {  	s31 =	sadd.s32 $0xA500, s29;
	s25 =	sor.u32 s24, s25;
	v59 =	vld [tilespmem:s14+$0x0];
	v2 =	vadd.f32 v29, v2;
	v7 =	vadd.f32 v55, v7  }
0x79: {  	v60 =	vld [tilespmem:s25+$0x0];
	s9 =	sor.u32 s23, s31;
	v6 =	vadd.f32 v56, v6;
	v61 =	vadd.f32 v28, v1  }
0x7a: {  	s14 =	sor.u32 s24, s30;
	s30 =	sadd.s32 $0xA580, s29;
	v62 =	vld [tilespmem:s9+$0x0];
	v2 =	vadd.f32 v5, v2;
	v5 =	vadd.f32 v57, v7  }
0x7b: {  	s25 =	simm.s32 $0xB700;
	s1 =	sor.u32 s23, s30;
	v1 =	vld [tilespmem:s14+$0x0];
	v6 =	vadd.f32 v58, v6;
	v7 =	vadd.f32 v3, v61  }
0x7c: {  	s31 =	sor.u32 s24, s31;
	s9 =	sadd.s32 $0xA600, s29;
	s14 =	sand.u32 $0x380, s28;
	v63 =	vadd.f32 v4, v2;
	v2 =	vld [tilespmem:s1+$0x0];
	v5 =	vadd.f32 v8, v5  }
0x7d: {  	s30 =	sor.u32 s24, s30;
	s14 =	sor.u32 s26, s14;
	s26 =	sor.u32 s23, s9;
	v3 =	vld [tilespmem:s31+$0x0];
	v6 =	vadd.f32 v59, v6  }
0x7e: {  	s0 =	sadd.s32 $0xA680, s29;
	s29 =	simm.s32 $0x40;
	s28 =	simm.s32 $0x2;
	v4 =	vld [tilespmem:s26+$0x0];
	[tilespmem:s14+$0xB700] =	vst v7;
	v7 =	vadd.f32 v60, v5  }
0x7f: {  	s31 =	sor.u32 s24, s9;
	s1 =	sor.u32 s23, s0;
	s26 =	simm.s32 $0x200;
	[tilespmem:s25+$0x0] =	vst v63;
	v5 =	vld [tilespmem:s30+$0x0];
	v6 =	vadd.f32 v62, v6  }
.LBB2_6:
0x80: {  	s30 =	sand.u32 $0x1C00, s26;
	v1 =	vadd.f32 v1, v7;
	s0 =	sor.u32 s24, s0;
	s24 =	sand.u32 $0x60, s29;
	v7 =	vld [tilespmem:s1+$0x0]  }
0x81: {  	s28 =	sadd.s32 $0x2, s28;
	s1 =	sadd.s32 $0x8F00, s30;
	s9 =	sor.u32 $0x10, s24;
	v8 =	vld [tilespmem:s31+$0x0];
	v2 =	vadd.f32 v2, v6  }
0x82: {  	p0 =	slt.u32 s28, $0x26;
	s31 =	sor.u32 s24, s1;
	s1 =	sor.u32 s9, s1;
	v1 =	vadd.f32 v3, v1;
	v3 =	vld [tilespmem:s0+$0x0]  }
0x83: {  	v6 =	vld [tilespmem:s1+$0x0];
	v2 =	vadd.f32 v4, v2  }
0x84: {  	v4 =	vld [tilespmem:s1+$0x80];
	v1 =	vadd.f32 v5, v1  }
0x85: {  	s0 =	sand.u32 $0x380, s22;
	s22 =	smov.u32 s29;
	v5 =	vld [tilespmem:s31+$0x0];
	v2 =	vadd.f32 v7, v2  }
0x86: {  	s0 =	sor.u32 s23, s0;
	s23 =	smov.u32 s9;
	v7 =	vld [tilespmem:s1+$0x100];
	v1 =	vadd.f32 v8, v1  }
0x87: {  	v8 =	vld [tilespmem:s31+$0x80];
	[tilespmem:s0+$0xB700] =	vst v2  }
0x88: {  	v2 =	vld [tilespmem:s1+$0x180];
	v1 =	vadd.f32 v3, v1  }
0x89: {  	s25 =	sadd.s32 $0x20, s25;
	v3 =	vld [tilespmem:s31+$0x100];
	v4 =	vadd.f32 v4, v6  }
0x8a: {  	v6 =	vld [tilespmem:s1+$0x200];
	[tilespmem:s25+$0x0] =	vst v1  }
0x8b: {  	v1 =	vld [tilespmem:s31+$0x180];
	v4 =	vadd.f32 v7, v4  }
0x8c: {  	v5 =	vadd.f32 v8, v5;
	v7 =	vld [tilespmem:s1+$0x280]  }
0x8d: {  	v8 =	vld [tilespmem:s31+$0x200];
	v2 =	vadd.f32 v2, v4  }
0x8e: {  	v3 =	vadd.f32 v3, v5;
	v4 =	vld [tilespmem:s1+$0x300]  }
0x8f: {  	v5 =	vld [tilespmem:s31+$0x280];
	v2 =	vadd.f32 v6, v2  }
0x90: {  	s0 =	sor.u32 $0xA300, s30;
	v1 =	vadd.f32 v1, v3;
	v3 =	vld [tilespmem:s1+$0x380]  }
0x91: {  	s1 =	sor.u32 s24, s0;
	s0 =	sor.u32 s23, s0;
	v6 =	vld [tilespmem:s31+$0x300];
	v2 =	vadd.f32 v7, v2  }
0x92: {  	s9 =	sor.u32 $0xA380, s30;
	v1 =	vadd.f32 v8, v1;
	v7 =	vld [tilespmem:s0+$0x0]  }
0x93: {  	s0 =	sor.u32 s24, s9;
	s9 =	sor.u32 s23, s9;
	v8 =	vld [tilespmem:s31+$0x380];
	v2 =	vadd.f32 v4, v2  }
0x94: {  	s31 =	sadd.s32 $0xA400, s30;
	v1 =	vadd.f32 v5, v1;
	v4 =	vld [tilespmem:s9+$0x0]  }
0x95: {  	s9 =	sor.u32 s23, s31;
	v5 =	vld [tilespmem:s1+$0x0];
	s1 =	sor.u32 s24, s31;
	v2 =	vadd.f32 v3, v2  }
0x96: {  	s31 =	sadd.s32 $0xA480, s30;
	v1 =	vadd.f32 v6, v1;
	v3 =	vld [tilespmem:s9+$0x0]  }
0x97: {  	s9 =	sor.u32 s23, s31;
	v6 =	vld [tilespmem:s0+$0x0];
	s0 =	sor.u32 s24, s31;
	v2 =	vadd.f32 v7, v2  }
0x98: {  	s31 =	sadd.s32 $0xA500, s30;
	v1 =	vadd.f32 v8, v1;
	v7 =	vld [tilespmem:s9+$0x0]  }
0x99: {  	s9 =	sor.u32 s23, s31;
	v8 =	vld [tilespmem:s1+$0x0];
	s1 =	sor.u32 s24, s31;
	v2 =	vadd.f32 v4, v2  }
0x9a: {  	s31 =	sadd.s32 $0xA580, s30;
	v4 =	vadd.f32 v5, v1;
	v9 =	vld [tilespmem:s9+$0x0]  }
.Ltmp2:
0x9b: {  	s9 =	sor.u32 s24, s31;
	v1 =	vld [tilespmem:s0+$0x0];
	v5 =	vadd.f32 v3, v2;
	s0 =	sor.u32 s23, s31;
	(pc) =	sbr.rel @p0 .LBB2_6-.Ltmp2, $4  }
0x9c: {  	s14 =	sadd.s32 $0xA600, s30;
	v4 =	vadd.f32 v6, v4;
	v2 =	vld [tilespmem:s0+$0x0]  }
0x9d: {  	s31 =	sor.u32 s24, s14;
	v3 =	vld [tilespmem:s1+$0x0];
	v6 =	vadd.f32 v7, v5;
	s1 =	sor.u32 s23, s14  }
0x9e: {  	s0 =	sadd.s32 $0xA680, s30;
	v7 =	vadd.f32 v8, v4;
	v4 =	vld [tilespmem:s1+$0x0]  }
0x9f: {  	s26 =	sadd.s32 $0x100, s26;
	s29 =	sadd.s32 $0x20, s29;
	s1 =	sor.u32 s23, s0;
	v5 =	vld [tilespmem:s9+$0x0];
	v6 =	vadd.f32 v9, v6  }
0xa0: {  	v1 =	vadd.f32 v1, v7  }
0xa1: {  	v63 =	vld [tilespmem:s31+$0x0]  }
0xa2: {  	s0 =	sor.u32 s24, s0;
	v8 =	vld [tilespmem:s1+$0x0];
	v1 =	vadd.f32 v3, v1  }
0xa3: {  	v2 =	vadd.f32 v2, v6;
	v3 =	vld [tilespmem:s0+$0x0]  }
0xa4: {  	v1 =	vadd.f32 v5, v1  }
0xa5: {  	v2 =	vadd.f32 v4, v2  }
0xa6: {  	v1 =	vadd.f32 v63, v1  }
0xa7: {  	s30 =	sand.u32 $0x380, s22;
	v2 =	vadd.f32 v8, v2  }
0xa8: {  	s21 =	sadd.s32 $0x1, s21;
	s0 =	sor.u32 s23, s30;
	v1 =	vadd.f32 v3, v1  }
0xa9: {  	s31 =	sadd.s32 $0x20, s25;
	p0 =	sne.s32 s21, s8;
	[tilespmem:s0+$0xB700] =	vst v2  }
.Ltmp3:
0xaa: {  	[tilespmem:s31+$0x0] =	vst v1;
	(pc) =	sbr.rel @p0 .LBB2_1-.Ltmp3, $4  }
0xab: {  	[hbm4b:s7+s13] =	stream.strided.scatter [tilespmem:s20], [sflag:$0x3], $0x280, s19, s13, $0x38;
	[tilespmem:$0xB980] =	vst v63  }
0xac: {  	_ =	swait.ge [sflag:s15], $0x280  }
0xad: {  	[sflag:s15] =	ssyncset.done $0x0  }
0xae: {  	[sflag:s15] =	ssyncadd.s32 $0xFFFFFD80  }
0xaf: {  	_ =	sfence.sel $0x180000  }
0xb0: {  	[bflag:$0x0] =	sbarrier.arrive $0xFFFF  }
0xb1: {  	_ =	strace $0x90000047  }
0xb2: {  	s0 =	stileid.u32;
	[bflag:$0x2] =	sbarrier.arrive $0xFFFF  }
0xb3: {  	p0 =	sne.s32 s0, $0x0;
	s0 =	rddreg [dreg:$0x4]  }
0xb4: {  	s0 =	sadd.s32 @!p0 $0x100000, s0  }
0xb5: {  	[sflag:s0] =	ssyncadd.tile.s32 @!p0 $0x1;
	_ =	shalt  }
.Lfunc_end2:
_tile_overlayer_lowered:
.L_overlay_start_2:
0xb6: {  	(tag) =	ssettag $0x2  }
0xb7: {  	s0 =	rddreg [dreg:$0x0];
	s2 =	stileid.u32  }
0xb8: {  	s1 =	rddreg [dreg:$0x1];
	p0 =	sne.s32 s2, $0x0  }
0xb9: {  	s3 =	rddreg [dreg:$0x2];
	[bflag:$0x3] =	sbarrier.arrive $0xFFFF;
	s2 =	simm.s32 @!p0 $0x1C03  }
0xba: {  	[timem:s3], [sflag:s2] =	dma.local @!p0 [hbm:s0], s1  }
0xbb: {  	s0 =	simm.s32 @!p0 $0x3  }
0xbc: {  	_ =	swait.ge @!p0 [sflag:s0], s1  }
0xbd: {  	s1 =	ssub.s32 @!p0 $0x0, s1;
	[sflag:s0] =	ssyncset.done @!p0 $0x0  }
0xbe: {  	[sflag:s0] =	ssyncadd.s32 @!p0 s1  }
0xbf: {  	[bflag:$0x3] =	sbarrier.arrive $0xFFFF  }
0xc0: {  	_ =	shalt  }

// kernel: kernel.9.cloned.1.call-start
scs
__scs_entry_jumppad:
0x0: {  	(pc) =	sbr.rel $0x88, $3  }
0x1: {  	(tag) =	ssettag $0x0;
	lr =	simm.s32 $0x1  }
0x2: {  	[smem:$0x3F9E] =	sst lr;
	_ =	strace $0xD0000000  }
0x3: {  	_ = 	snop  }
0x4: {  	_ = 	snop  }
0x5: {  	_ = 	snop  }
0x6: {  	_ = 	snop  }
0x7: {  	_ = 	snop  }
__scs_overlays_trampoline_lowered:
0x8: {  	[smem:$0x3FAD] =	sst s0  }
0x9: {  	[smem:$0x3FAE] =	sst s1  }
0xa: {  	[smem:$0x3FAF] =	sst s2  }
0xb: {  	[smem:$0x3FB0] =	sst s3  }
0xc: {  	[smem:$0x3FB1] =	sst s4  }
0xd: {  	[smem:$0x3FB2] =	sst s5  }
0xe: {  	[smem:$0x3FB3] =	sst s6  }
0xf: {  	[smem:$0x3FB4] =	sst s7  }
0x10: {  	[smem:$0x3FB5] =	sst s8  }
0x11: {  	[smem:$0x3FB6] =	sst s9;
	s0 =	simm.s32 @!p0 $0x0  }
0x12: {  	s1 =	sld [smem:$0x3F9C];
	s0 =	simm.s32 @p0 $0x1  }
0x13: {  	[smem:$0x3FB7] =	sst s0;
	s0 =	simm.s32 @!p1 $0x0  }
0x14: {  	s2 =	sld [smem:$0x3F9B];
	s0 =	simm.s32 @p1 $0x1  }
0x15: {  	[smem:$0x3FB8] =	sst s0;
	s0 =	simm.s32 @!p2 $0x0  }
0x16: {  	s3 =	sld [smem:$0x3FDB];
	s0 =	simm.s32 @p2 $0x1  }
0x17: {  	s4 =	simm.s32 $0x1BF5;
	[smem:$0x3FBA] =	sst s0  }
0x18: {  	s0 =	sld [smem:$0x3F9D];
	_ =	swait.ge [sflag:s4], $0x0  }
0x19: {  	s7 =	sld [smem:$0x3F9E]  }
0x1a: {  	s8 =	sadd.s32 $0xFFFFE003, lr  }
0x1b: {  	s9 =	sadd.s32 $0xFFFFFEF7, lr;
	s5 =	simm.s32 $0xFFFFFFFF;
	p2 =	slt.u32 s8, $0xFFFFF086  }
0x1c: {  	p1 =	slt.u32 s9, $0xF7A;
	s5 =	simm.s32 @!p2 $0x0  }
0x1d: {  	s5 =	simm.s32 @p1 $0x1;
	p0 =	seq.s32 s7, s2  }
0x1e: {  	s7 =	smul.u32 @!p0 $0xF7A, s2;
	p2 =	seq.s32 @!p0 s5, $0x0  }
0x1f: {  	s9 =	smul.u32 $0xF7A, s1;
	s8 =	simm.s32 @!p0 $0x1BF5;
	p2 =	por !p2, p0  }
0x20: {  	[sflag:s8] =	ssyncset.s32 @!p0 $0xFFFFF086;
	s6 =	sadd.s32 @!p0 s3, s7;
	s7 =	simm.s32 @!p0 $0x108  }
0x21: {  	s3 =	sadd.s32 s3, s9;
	s6 =	sadd.s32 @!p0 $0x88, s6;
	s7 =	simm.s32 @p2 $0x1082  }
0x22: {  	[simem:s7], [sflag:s8] =	dma.local @!p0 [hbm:s6], $0xF7A  }
0x23: {  	s9 =	sor.u32 $0xD0000000, s2;
	s6 =	simm.s32 $0x108;
	_ =	swait.ge @!p0 [sflag:s8], $0x0  }
0x24: {  	s3 =	sadd.s32 $0x88, s3;
	s6 =	simm.s32 @!p1 $0x1082;
	[sflag:s4] =	ssyncset.s32 $0xFFFFF086  }
0x25: {  	[simem:s6], [sflag:s4] =	dma.local [hbm:s3], $0xF7A  }
0x26: {  	[smem:$0x3F9E] =	sst s1;
	(tag) =	ssettag s2;
	_ =	strace s9  }
0x27: {  	s1 =	sld [smem:$0x3FAE]  }
0x28: {  	s2 =	sld [smem:$0x3FAF]  }
0x29: {  	s4 =	sld [smem:$0x3FB1]  }
0x2a: {  	p0 =	seq.s32 s5, $0x0;
	s5 =	sld [smem:$0x3FB2]  }
0x2b: {  	s6 =	sld [smem:$0x3FB3]  }
0x2c: {  	s7 =	sld [smem:$0x3FB4]  }
0x2d: {  	s3 =	simm.s32 $0x108;
	s8 =	sld [smem:$0x3FB5]  }
0x2e: {  	s3 =	simm.s32 @!p0 $0x1082;
	s9 =	sld [smem:$0x3FB6]  }
0x2f: {  	lr =	sadd.s32 s0, s3;
	s0 =	sld [smem:$0x3FAD]  }
0x30: {  	s3 =	sld [smem:$0x3FB0]  }
0x31: {  	[smem:$0x3FB9] =	sst s10  }
0x32: {  	s10 =	sld [smem:$0x3FB7];
	_ =	sdelay $0x3  }
0x33: {  	p0 =	seq.s32 s10, $0x1;
	s10 =	sld [smem:$0x3FB9];
	_ =	sdelay $0x3  }
0x34: {  	[smem:$0x3FB9] =	sst s10  }
0x35: {  	s10 =	sld [smem:$0x3FB8];
	_ =	sdelay $0x3  }
0x36: {  	p1 =	seq.s32 s10, $0x1;
	s10 =	sld [smem:$0x3FB9];
	_ =	sdelay $0x3  }
0x37: {  	[smem:$0x3FB9] =	sst s10  }
0x38: {  	s10 =	sld [smem:$0x3FBA]  }
0x39: {  	_ = 	snop;
	(pc) =	sbr.ind lr, $3  }
0x3a: {  	_ = 	snop  }
0x3b: {  	_ = 	snop  }
0x3c: {  	p2 =	seq.s32 s10, $0x1;
	s10 =	sld [smem:$0x3FB9]  }
0x3d: {  	_ =	shalt  }
0x3e: {  	_ =	shalt  }
0x3f: {  	_ =	shalt  }
0x40: {  	_ =	shalt  }
0x41: {  	_ =	shalt  }
0x42: {  	_ =	shalt  }
0x43: {  	_ =	shalt  }
0x44: {  	_ =	shalt  }
0x45: {  	_ =	shalt  }
0x46: {  	_ =	shalt  }
0x47: {  	_ =	shalt  }
0x48: {  	_ =	shalt  }
0x49: {  	_ =	shalt  }
0x4a: {  	_ =	shalt  }
0x4b: {  	_ =	shalt  }
0x4c: {  	_ =	shalt  }
0x4d: {  	_ =	shalt  }
0x4e: {  	_ =	shalt  }
0x4f: {  	_ =	shalt  }
0x50: {  	_ =	shalt  }
0x51: {  	_ =	shalt  }
0x52: {  	_ =	shalt  }
0x53: {  	_ =	shalt  }
0x54: {  	_ =	shalt  }
0x55: {  	_ =	shalt  }
0x56: {  	_ =	shalt  }
0x57: {  	_ =	shalt  }
0x58: {  	_ =	shalt  }
0x59: {  	_ =	shalt  }
0x5a: {  	_ =	shalt  }
0x5b: {  	_ =	shalt  }
0x5c: {  	_ =	shalt  }
0x5d: {  	_ =	shalt  }
0x5e: {  	_ =	shalt  }
0x5f: {  	_ =	shalt  }
0x60: {  	_ =	shalt  }
0x61: {  	_ =	shalt  }
0x62: {  	_ =	shalt  }
0x63: {  	_ =	shalt  }
0x64: {  	_ =	shalt  }
0x65: {  	_ =	shalt  }
0x66: {  	_ =	shalt  }
0x67: {  	_ =	shalt  }
0x68: {  	_ =	shalt  }
0x69: {  	_ =	shalt  }
0x6a: {  	_ =	shalt  }
0x6b: {  	_ =	shalt  }
0x6c: {  	_ =	shalt  }
0x6d: {  	_ =	shalt  }
0x6e: {  	_ =	shalt  }
0x6f: {  	_ =	shalt  }
0x70: {  	_ =	shalt  }
0x71: {  	_ =	shalt  }
0x72: {  	_ =	shalt  }
0x73: {  	_ =	shalt  }
0x74: {  	_ =	shalt  }
0x75: {  	_ =	shalt  }
0x76: {  	_ =	shalt  }
0x77: {  	_ =	shalt  }
0x78: {  	_ =	shalt  }
0x79: {  	_ =	shalt  }
0x7a: {  	_ =	shalt  }
0x7b: {  	_ =	shalt  }
0x7c: {  	_ =	shalt  }
0x7d: {  	_ =	shalt  }
0x7e: {  	_ =	shalt  }
0x7f: {  	_ =	shalt  }
0x80: {  	_ =	shalt  }
0x81: {  	_ =	shalt  }
0x82: {  	_ =	shalt  }
0x83: {  	_ =	shalt  }
0x84: {  	_ =	shalt  }
0x85: {  	_ =	shalt  }
0x86: {  	_ =	shalt  }
0x87: {  	_ =	shalt  }
.Lfunc_end0:
.L_simem_size_0:
called_computation.1_lowered:
.L_overlay_start_0:
0x88: {  	s2 =	sld [smem:$0x3FD9]  }
0x89: {  	s3 =	sld [smem:$0x3FFE];
	_ =	sdelay $0x1  }
0x8a: {  	s1 =	srdreg.scid  }
0x8b: {  	s0 =	sand.u32 $0x1, s1  }
0x8c: {  	s17 =	sshll.u32 s0, $0xA;
	s2 =	sadd.s32 s3, s2  }
0x8d: {  	s2 =	sadd.s32 s2, s17  }
0x8e: {  	[smem:$0x3FC5] =	sst s2  }
0x8f: {  	_ = 	snop  }
0x90: {  	s2 =	sld [smem:$0x3FC8]  }
0x91: {  	s18 =	sld [smem:$0x3FD0];
	(tm) =	ssettm $0x1  }
0x92: {  	s4 =	sld [smem:$0x3FFB];
	_ =	sdelay $0x3  }
0x93: {  	_ =	strace s4  }
0x94: {  	s4 =	sld [smem:$0x3FFC];
	_ =	sdelay $0x3  }
0x95: {  	_ =	strace s4  }
0x96: {  	s4 =	sld [smem:$0x3FFD];
	_ =	sdelay $0x3  }
0x97: {  	_ =	strace s4  }
0x98: {  	_ =	strace $0x8FFFFFFF  }
0x99: {  	s19 =	sld [smem:$0x3FDB];
	_ =	sdelay $0x1  }
0x9a: {  	s5 =	simm.s32 $_scs_section_size  }
0x9b: {  	s6 =	simm.s32 $_size__tile_overlayer_lowered;
	s7 =	simm.s32 $_tile_overlayer_lowered  }
0x9c: {  	s22 =	simm.s32 $0x1BFF;
	s21 =	sshll.u32 s7, $0x1;
	s4 =	sadd.s32 s5, s19  }
0x9d: {  	s8 =	simm.s32 $0x0;
	s20 =	sshll.u32 s6, $0x1;
	s6 =	sadd.s32 s21, s4  }
0x9e: {  	[timem:s8], [sflag:s22] =	dma.local [hbm:s6], s20  }
0x9f: {  	_ =	swait.ge [sflag:s22], s20  }
0xa0: {  	s5 =	ssub.s32 $0x0, s20;
	[sflag:s22] =	ssyncset.done $0x0  }
0xa1: {  	[sflag:s22] =	ssyncadd.s32 s5;
	_ =	sdelay $0x1  }
0xa2: {  	s23 =	simm.s32 $0x1B8B  }
0xa3: {  	_ =	swait.ge [sflag:s23], $0x1  }
0xa4: {  	[sflag:s23] =	ssyncset.done $0x0  }
0xa5: {  	s25 =	simm.s32 $0x1B8E;
	s24 =	sld [smem:$0x3FFE];
	[sflag:s23] =	ssyncadd.s32 $0xFFFFFFFF  }
0xa6: {  	s26 =	simm.s32 $execute0_lowered;
	[smem:$0x3FD2] =	sst s25  }
0xa7: {  	s6 =	sshll.u32 s26, $0x1;
	_ =	strace $0x80000049;
	[dreg:$0x1] =	wrdreg $0xFFFFFFFF  }
0xa8: {  	s28 =	simm.s32 $_size_execute0_lowered;
	s4 =	sadd.s32 s4, s6;
	[dreg:$0x0] =	wrdreg $0x0  }
0xa9: {  	s6 =	sshll.u32 s28, $0x1;
	[dreg:$0x2] =	wrdreg s4  }
0xaa: {  	[dreg:$0x3] =	wrdreg s6  }
0xab: {  	[dreg:$0x4] =	wrdreg $0xC0  }
0xac: {  	_ =	task [dreg:s8], $0x5FFFF  }
0xad: {  	[dreg:$0x1] =	wrdreg $0xFFFFFFFF  }
0xae: {  	[dreg:$0x0] =	wrdreg $0x60  }
0xaf: {  	[dreg:$0x2] =	wrdreg s18  }
0xb0: {  	[dreg:$0x3] =	wrdreg s24  }
0xb1: {  	[dreg:$0x4] =	wrdreg s2  }
0xb2: {  	[dreg:$0x5] =	wrdreg $0x48000  }
0xb3: {  	[dreg:$0x6] =	wrdreg $0x70000  }
0xb4: {  	[dreg:$0x7] =	wrdreg $0x9  }
0xb5: {  	_ =	task.clear_ibuf [dreg:s8], $0x8FFFF;
	_ =	strace $0x90000049  }
0xb6: {  	s29 =	simm.s32 $0x9;
	_ =	strace $0x8000004B  }
0xb7: {  	_ =	swait.ge [sflag:s29], $0x1  }
0xb8: {  	[sflag:s29] =	ssyncadd.s32 $0xFFFFFFFF  }
0xb9: {  	_ =	strace $0x9000004B  }
0xba: {  	_ =	sfence  }
0xbb: {  	s30 =	sld [smem:$0x0];
	_ =	sdelay $0x2  }
0xbc: {  	s31 =	sshll.u32 s1, $0xD;
	s1 =	sshrl.u32 s1, $0x2  }
0xbd: {  	s3 =	sand.u32 $0x4000, s31;
	s1 =	sadd.s32 s1, s30  }
0xbe: {  	s0 =	sor.u32 s3, s0;
	s1 =	sshll.u32 s1, $0x11  }
0xbf: {  	s0 =	sor.u32 s1, s0  }
0xc0: {  	s0 =	sadd.s32 $0x8F2B, s0  }
0xc1: {  	[sflag:s0] =	ssyncadd.remote.s32 $0x1  }
0xc2: {  	_ =	sfence.sel $0xFFFF  }
0xc3: {  	[dreg:$0x0] =	wrdreg $0xFFFFFFFF;
	(pc) =	sbr.abs _section_cstart, $3  }
0xc4: {  	[dreg:$0x1] =	wrdreg $0xFFFFFFFF  }
0xc5: {  	_ =	task.clear_ibuf [dreg:s8], $0x2FFFF;
	_ =	strace $0x9FFFFFFF  }
0xc6: {  	(tm) =	ssettm $0x7FFFFFFF  }
0xc7: {  	_ =	shalt  }
tec
execute0_lowered:
.L_overlay_start_1:
0x0: {  	(tag) =	ssettag $0x1  }
0x1: {  	s0 =	rddreg [dreg:$0x0]  }
0x2: {  	s1 =	rddreg [dreg:$0x1]  }
0x3: {  	s2 =	rddreg [dreg:$0x2]  }
0x4: {  	s3 =	srdreg.scid;
	s5 =	rddreg [dreg:$0x3]  }
0x5: {  	s15 =	rddreg [dreg:$0x4];
	s13 =	stileid.u32;
	s20 =	simm.s32 $0x1  }
0x6: {  	s31 =	simm.s32 $0x4;
	s6 =	sand.u32 $0x1, s3;
	s3 =	simm.s32 $0x0  }
0x7: {  	s7 =	smul.u32 $0xFA0, s13;
	s8 =	sadd.s32 $0x800, s1;
	s21 =	sshrl.u32 s13, $0x3  }
0x8: {  	s23 =	sshll.u32 s13, $0x7;
	s24 =	smul.u32 $0x5000, s13;
	s4 =	sshll.u32 s6, $0x4  }
0x9: {  	[smem:$0x7FF] =	sst s3;
	s6 =	ssub.s32 $0x2, s6;
	s17 =	sor.u32 s13, s4  }
0xa: {  	_ =	strace $0x8000004A;
	s4 =	sadd.s32 $0x1200, s1;
	[dreg:$0x6] =	wrdreg s8  }
0xb: {  	s7 =	sshrl.u32 s7, $0x3;
	s9 =	sshrl.u32 s6, $0x1;
	s8 =	smul.u32 $0x50000, s21  }
0xc: {  	s13 =	smul.u32 $0xA00, s13;
	s26 =	sshrl.u32 s24, $0x2;
	s21 =	simm.s32 $0x2  }
0xd: {  	s10 =	smul.u32 $0x2710, s17;
	s11 =	sadd.s32 s2, s7;
	s6 =	ssub.s32 s6, s9  }
0xe: {  	s9 =	sand.u32 $0x380, s23;
	s7 =	sadd.s32 s4, s7;
	p0 =	sgt.u32 s17, $0x18  }
0xf: {  	s22 =	sadd.s32 $0x7D00, s11;
	s8 =	sshrl.u32 s8, $0x2;
	[dreg:$0x8] =	wrdreg s7  }
0x10: {  	s28 =	sshrl.u32 s13, $0x2;
	s13 =	sadd.s32 $0x7A12, s0;
	s16 =	smax.u32 s6, $0x1  }
0x11: {  	p2 =	sne.s32 @p0 s17, $0x19;
	s17 =	simm.s32 $0x0;
	s14 =	sshrl.u32 s10, $0x3  }
0x12: {  	[dreg:$0x7] =	wrdreg s22;
	s12 =	sadd.s32 s8, s5;
	s29 =	sadd.s32 $0xFFFC1800, s10  }
0x13: {  	s11 =	sadd.s32 s28, s15;
	s22 =	simm.s32 $0x2000;
	p1 =	por !p2, !p0  }
0x14: {  	p2 =	por p2, !p0;
	s1 =	sadd.s32 s14, s1;
	s2 =	sadd.s32 s2, s14  }
0x15: {  	s25 =	sadd.s32 s9, s12;
	s30 =	sshrl.u32 s29, $0x3;
	[dreg:$0x9] =	wrdreg s2  }
0x16: {  	s14 =	sadd.s32 s0, s14;
	s0 =	simm.s32 $0x3;
	[dreg:$0xa] =	wrdreg s25  }
0x17: {  	s2 =	sadd.s32 s26, s5;
	s12 =	sadd.s32 s4, s30;
	s15 =	sadd.s32 $0x3200, s1  }
0x18: {  	v0 =	vimm.f32 $0.0e+00;
	s25 =	simm.s32 $0x5;
	s1 =	simm.s32 $0xED00;
	[dreg:$0xb] =	wrdreg s2  }
.LBB2_1:
0x19: {  	s2 =	rddreg [dreg:$0x7]  }
0x1a: {  	[tilespmem:s3], [sflag:$0x1] =	stream.linear.gather [hbm4b:s2+s3], $0xFA0, $0x38;
	[tilespmem:$0x18B80] =	vst v63  }
0x1b: {  	s24 =	rddreg [dreg:$0x8];
	s5 =	simm.s32 $0x1000  }
0x1c: {  	[tilespmem:s5], [sflag:$0x2] =	stream.linear.gather [hbm4b:s24+s3], $0xFA0, $0x38;
	[tilespmem:$0x18B80] =	vst v63  }
0x1d: {  	s26 =	rddreg [dreg:$0x9];
	s28 =	simm.s32 $0x11500  }
0x1e: {  	[tilespmem:s28], [sflag:$0x3] =	stream.linear.gather [hbm4b:s26+s3], $0x2710, $0x38;
	[tilespmem:$0x18B80] =	vst v63  }
0x1f: {  	s29 =	rddreg [dreg:$0x6];
	s30 =	simm.s32 $0x9D00;
	s2 =	simm.s32 $0x2020  }
0x20: {  	[tilespmem:s30], [sflag:$0x4] =	stream.linear.gather [hbm4b:s29+s3], $0x5000, $0x38;
	[tilespmem:$0x18B80] =	vst v63  }
0x21: {  	[tilespmem:s2+$0xFFFFFFE0] =	vst v0  }
0x22: {  	[tilespmem:s2+$0x10] =	vst v0  }
0x23: {  	s5 =	simm.s32 $0x0;
	[tilespmem:s2+$0x0] =	vst v0  }
.LBB2_2:
0x24: {  	s5 =	sadd.s32 $0x4, s5  }
0x25: {  	[tilespmem:s2+$0xFFFFFFF0] =	vst v0;
	s2 =	sadd.s32 $0x40, s2;
	p3 =	slt.u32 s5, $0x27C  }
.Ltmp0:
0x26: {  	[tilespmem:s2+$0xFFFFFFE0] =	vst v0;
	(pc) =	sbr.rel @p3 .LBB2_2-.Ltmp0, $3  }
0x27: {  	_ =	sdelay $0x1  }
0x28: {  	[tilespmem:s2+$0x10] =	vst v0  }
0x29: {  	[tilespmem:s2+$0x0] =	vst v0  }
0x2a: {  	[tilespmem:s2+$0xFFFFFFF0] =	vst v0  }
0x2b: {  	_ =	swait.ge [sflag:s20], $0xFA0  }
0x2c: {  	[sflag:s20] =	ssyncset.done $0x0  }
0x2d: {  	[sflag:s20] =	ssyncadd.s32 $0xFFFFF060  }
0x2e: {  	_ =	swait.ge [sflag:s21], $0xFA0  }
0x2f: {  	[sflag:s21] =	ssyncset.done $0x0  }
0x30: {  	s2 =	simm.s32 $0x0;
	[sflag:s21] =	ssyncadd.s32 $0xFFFFF060  }
.LBB2_4:
0x31: {  	s5 =	sshra.s32 s2, $0x2  }
0x32: {  	v1 =	vld [tilespmem:s5+$0x0];
	_ =	sdelay $0x2  }
0x33: {  	v2 =	vld [tilespmem:s5+$0x1000];
	_ =	sdelay $0x4  }
0x34: {  	[tilespmem:v1+s22+$0x0] =	vst.idx.add.f32.msk $0xffff, v2  }
0x35: {  	v1 =	vld [tilespmem:s5+$0x10];
	_ =	sdelay $0x2  }
0x36: {  	v2 =	vld [tilespmem:s5+$0x1010];
	_ =	sdelay $0x4  }
0x37: {  	[tilespmem:v1+s22+$0x0] =	vst.idx.add.f32.msk $0xffff, v2  }
0x38: {  	v1 =	vld [tilespmem:s5+$0x20];
	_ =	sdelay $0x2  }
0x39: {  	v2 =	vld [tilespmem:s5+$0x1020];
	_ =	sdelay $0x4  }
0x3a: {  	[tilespmem:v1+s22+$0x0] =	vst.idx.add.f32.msk $0xffff, v2  }
0x3b: {  	v1 =	vld [tilespmem:s5+$0x30];
	_ =	sdelay $0x2  }
0x3c: {  	v2 =	vld [tilespmem:s5+$0x1030];
	_ =	sdelay $0x4  }
0x3d: {  	[tilespmem:v1+s22+$0x0] =	vst.idx.add.f32.msk $0xffff, v2  }
0x3e: {  	v1 =	vld [tilespmem:s5+$0x40];
	_ =	sdelay $0x2  }
0x3f: {  	p3 =	sne.s32 s2, $0x3D40;
	v2 =	vld [tilespmem:s5+$0x1040]  }
.Ltmp1:
0x40: {  	_ = 	snop;
	(pc) =	sbr.rel @p3 .LBB2_4-.Ltmp1, $2  }
0x41: {  	_ =	sdelay $0x2  }
0x42: {  	s2 =	sadd.s32 $0x140, s2;
	[tilespmem:v1+s22+$0x0] =	vst.idx.add.f32.msk $0xffff, v2  }
0x43: {  	s2 =	rddreg [dreg:$0xa];
	s5 =	simm.s32 $0x80;
	s6 =	simm.s32 $0x400  }
0x44: {  	[spmem:s2] =	stream.strided.scatter [tilespmem:s22], [sflag:$0x5], $0x2800, s6, s5, $0x38;
	[tilespmem:$0x18B80] =	vst v63  }
0x45: {  	_ =	swait.ge [sflag:s25], $0x2800  }
0x46: {  	[sflag:s25] =	ssyncset.done $0x0  }
0x47: {  	[sflag:s25] =	ssyncadd.s32 $0xFFFFD800  }
0x48: {  	s26 =	simm.s32 $0x1400;
	s30 =	simm.s32 $0x14000;
	[bflag:$0x0] =	sbarrier.arrive $0xFFFF  }
0x49: {  	s7 =	simm.s32 $0x7280;
	s28 =	simm.s32 $0x0;
	s24 =	rddreg [dreg:$0xb]  }
0x4a: {  	[tilespmem:s7], [sflag:$0x5] =	stream.strided.gather [spmem:s24], $0x2800, s30, s26, $0x38;
	[tilespmem:$0x18B80] =	vst v63  }
0x4b: {  	s19 =	sand.u32 $0x60, s28;
	s2 =	sand.u32 $0x1C00, s28;
	_ =	swait.ge [sflag:s25], $0x2800  }
0x4c: {  	s7 =	sadd.s32 $0x7280, s2;
	s26 =	sor.u32 $0x10, s19;
	[sflag:s25] =	ssyncset.done $0x0  }
0x4d: {  	s8 =	sor.u32 s26, s7;
	[sflag:s25] =	ssyncadd.s32 $0xFFFFD800  }
0x4e: {  	v1 =	vld [tilespmem:s8+$0x0]  }
0x4f: {  	s5 =	sor.u32 s19, s7;
	v2 =	vld [tilespmem:s8+$0x80]  }
0x50: {  	v3 =	vld [tilespmem:s5+$0x0]  }
0x51: {  	v4 =	vld [tilespmem:s8+$0x100]  }
0x52: {  	v5 =	vld [tilespmem:s5+$0x80]  }
0x53: {  	v6 =	vld [tilespmem:s8+$0x180]  }
0x54: {  	v7 =	vld [tilespmem:s5+$0x100]  }
0x55: {  	v8 =	vld [tilespmem:s8+$0x200]  }
0x56: {  	v9 =	vld [tilespmem:s5+$0x180]  }
0x57: {  	v10 =	vld [tilespmem:s8+$0x280]  }
0x58: {  	v11 =	vld [tilespmem:s5+$0x200]  }
0x59: {  	v12 =	vld [tilespmem:s8+$0x300]  }
0x5a: {  	v13 =	vld [tilespmem:s5+$0x280]  }
0x5b: {  	s18 =	sadd.s32 $0x8680, s2;
	v14 =	vld [tilespmem:s8+$0x380]  }
0x5c: {  	s9 =	sor.u32 s26, s18;
	v15 =	vld [tilespmem:s5+$0x300]  }
0x5d: {  	s23 =	sadd.s32 $0x8700, s2;
	v16 =	vld [tilespmem:s9+$0x0]  }
0x5e: {  	s10 =	sor.u32 s26, s23;
	v17 =	vld [tilespmem:s5+$0x380]  }
0x5f: {  	s24 =	sor.u32 s19, s18;
	s30 =	sadd.s32 $0x8780, s2;
	v18 =	vld [tilespmem:s10+$0x0]  }
0x60: {  	s7 =	sor.u32 s26, s30;
	v19 =	vld [tilespmem:s24+$0x0]  }
0x61: {  	s8 =	sor.u32 s19, s23;
	v20 =	vld [tilespmem:s7+$0x0]  }
0x62: {  	s9 =	sadd.s32 $0x8800, s2;
	s24 =	sor.u32 s19, s30;
	v21 =	vld [tilespmem:s8+$0x0]  }
0x63: {  	s30 =	sadd.s32 $0x8880, s2;
	s10 =	sor.u32 s26, s9;
	v23 =	vld [tilespmem:s24+$0x0]  }
0x64: {  	s6 =	sor.u32 s26, s30;
	v22 =	vld [tilespmem:s10+$0x0]  }
0x65: {  	s7 =	sor.u32 s19, s9;
	s8 =	sadd.s32 $0x8900, s2;
	v24 =	vld [tilespmem:s6+$0x0]  }
0x66: {  	v25 =	vld [tilespmem:s7+$0x0];
	s9 =	sor.u32 s26, s8  }
0x67: {  	s24 =	sadd.s32 $0x8980, s2;
	s10 =	sor.u32 s19, s30;
	v26 =	vld [tilespmem:s9+$0x0]  }
0x68: {  	s18 =	sor.u32 s26, s24;
	v27 =	vld [tilespmem:s10+$0x0]  }
0x69: {  	s2 =	sadd.s32 $0x8A00, s2;
	s23 =	sor.u32 s19, s8;
	s7 =	simm.s32 $0x100;
	v28 =	vld [tilespmem:s18+$0x0]  }
0x6a: {  	s30 =	sor.u32 s26, s2;
	v29 =	vld [tilespmem:s23+$0x0];
	s18 =	simm.s32 $0x20;
	s29 =	sand.u32 $0x1C00, s7;
	v1 =	vadd.f32 v2, v1  }
0x6b: {  	s24 =	sor.u32 s19, s24;
	s23 =	sand.u32 $0x60, s18;
	s8 =	sadd.s32 $0x7280, s29;
	v2 =	vadd.f32 v5, v3;
	v3 =	vld [tilespmem:s30+$0x0]  }
0x6c: {  	s2 =	sor.u32 s19, s2;
	s19 =	sor.u32 $0x10, s23;
	v5 =	vld [tilespmem:s24+$0x0];
	s10 =	sor.u32 s23, s8;
	v1 =	vadd.f32 v4, v1  }
0x6d: {  	s9 =	sor.u32 s19, s8;
	v45 =	vld [tilespmem:s10+$0x0];
	v2 =	vadd.f32 v7, v2  }
0x6e: {  	v7 =	vld [tilespmem:s9+$0x0];
	v1 =	vadd.f32 v6, v1  }
0x6f: {  	v2 =	vadd.f32 v9, v2;
	v6 =	vld [tilespmem:s9+$0x80]  }
0x70: {  	v46 =	vld [tilespmem:s10+$0x80];
	v1 =	vadd.f32 v8, v1  }
0x71: {  	v2 =	vadd.f32 v11, v2;
	v8 =	vld [tilespmem:s9+$0x100]  }
0x72: {  	v50 =	vld [tilespmem:s10+$0x200];
	v1 =	vadd.f32 v10, v1  }
0x73: {  	v47 =	vld [tilespmem:s9+$0x180];
	v2 =	vadd.f32 v13, v2  }
0x74: {  	v6 =	vadd.f32 v6, v7;
	v7 =	vld [tilespmem:s10+$0x100];
	v1 =	vadd.f32 v12, v1  }
0x75: {  	v48 =	vld [tilespmem:s9+$0x200];
	v2 =	vadd.f32 v15, v2  }
0x76: {  	v6 =	vadd.f32 v8, v6;
	v8 =	vld [tilespmem:s10+$0x180];
	v1 =	vadd.f32 v14, v1  }
0x77: {  	v49 =	vld [tilespmem:s9+$0x280];
	v9 =	vadd.f32 v46, v45;
	v2 =	vadd.f32 v17, v2  }
0x78: {  	v52 =	vld [tilespmem:s10+$0x280];
	v6 =	vadd.f32 v47, v6;
	v1 =	vadd.f32 v16, v1  }
0x79: {  	v51 =	vld [tilespmem:s9+$0x300];
	v2 =	vadd.f32 v19, v2;
	v7 =	vadd.f32 v7, v9  }
0x7a: {  	v55 =	vld [tilespmem:s10+$0x380];
	v6 =	vadd.f32 v48, v6;
	v1 =	vadd.f32 v18, v1  }
0x7b: {  	s24 =	sadd.s32 $0x8680, s29;
	v53 =	vld [tilespmem:s9+$0x380];
	v2 =	vadd.f32 v21, v2;
	v7 =	vadd.f32 v8, v7  }
0x7c: {  	s30 =	sor.u32 s19, s24;
	v8 =	vld [tilespmem:s10+$0x300];
	v6 =	vadd.f32 v49, v6;
	v1 =	vadd.f32 v20, v1  }
0x7d: {  	s7 =	sadd.s32 $0x8700, s29;
	v54 =	vld [tilespmem:s30+$0x0];
	v2 =	vadd.f32 v23, v2;
	v7 =	vadd.f32 v50, v7  }
0x7e: {  	s8 =	sor.u32 s19, s7;
	v4 =	vld [tilespmem:s2+$0x0];
	v6 =	vadd.f32 v51, v6;
	v1 =	vadd.f32 v22, v1  }
0x7f: {  	s5 =	sor.u32 s23, s24;
	v56 =	vld [tilespmem:s8+$0x0];
	s9 =	sadd.s32 $0x8780, s29;
	v2 =	vadd.f32 v25, v2;
	v7 =	vadd.f32 v52, v7  }
0x80: {  	v57 =	vld [tilespmem:s5+$0x0];
	s10 =	sor.u32 s19, s9;
	v6 =	vadd.f32 v53, v6;
	v1 =	vadd.f32 v24, v1  }
0x81: {  	s24 =	sor.u32 s23, s7;
	s30 =	sadd.s32 $0x8800, s29;
	v58 =	vld [tilespmem:s10+$0x0];
	v2 =	vadd.f32 v27, v2;
	v7 =	vadd.f32 v8, v7  }
0x82: {  	s7 =	sor.u32 s19, s30;
	v8 =	vld [tilespmem:s24+$0x0];
	v6 =	vadd.f32 v54, v6;
	v1 =	vadd.f32 v26, v1  }
0x83: {  	s6 =	sadd.s32 $0x8880, s29;
	v59 =	vld [tilespmem:s7+$0x0];
	s8 =	sor.u32 s23, s9;
	v2 =	vadd.f32 v29, v2;
	v7 =	vadd.f32 v55, v7  }
0x84: {  	v60 =	vld [tilespmem:s8+$0x0];
	s9 =	sor.u32 s19, s6;
	v6 =	vadd.f32 v56, v6;
	v61 =	vadd.f32 v28, v1  }
0x85: {  	s10 =	sor.u32 s23, s30;
	s30 =	sadd.s32 $0x8900, s29;
	v62 =	vld [tilespmem:s9+$0x0];
	v2 =	vadd.f32 v5, v2;
	v5 =	vadd.f32 v57, v7  }
0x86: {  	s5 =	sadd.s32 $0x8A00, s29;
	s7 =	sor.u32 s19, s30;
	v1 =	vld [tilespmem:s10+$0x0];
	v6 =	vadd.f32 v58, v6;
	v7 =	vadd.f32 v3, v61  }
0x87: {  	s8 =	sand.u32 $0x380, s28;
	s6 =	sor.u32 s23, s6;
	s9 =	sadd.s32 $0x8980, s29;
	v63 =	vadd.f32 v4, v2;
	v2 =	vld [tilespmem:s7+$0x0];
	v5 =	vadd.f32 v8, v5  }
0x88: {  	s28 =	simm.s32 $0x2;
	s10 =	sor.u32 s26, s8;
	s26 =	sor.u32 s19, s9;
	v3 =	vld [tilespmem:s6+$0x0];
	v6 =	vadd.f32 v59, v6  }
0x89: {  	s29 =	simm.s32 $0x40;
	s30 =	sor.u32 s23, s30;
	s24 =	simm.s32 $0x9A80;
	v4 =	vld [tilespmem:s26+$0x0];
	[tilespmem:s10+$0x9A80] =	vst v7;
	v7 =	vadd.f32 v60, v5  }
0x8a: {  	s2 =	sor.u32 s23, s9;
	s6 =	sor.u32 s19, s5;
	s26 =	simm.s32 $0x200;
	[tilespmem:s24+$0x0] =	vst v63;
	v5 =	vld [tilespmem:s30+$0x0];
	v6 =	vadd.f32 v62, v6  }
.LBB2_6:
0x8b: {  	s30 =	sand.u32 $0x1C00, s26;
	v1 =	vadd.f32 v1, v7;
	s5 =	sor.u32 s23, s5;
	s23 =	sand.u32 $0x60, s29;
	v7 =	vld [tilespmem:s6+$0x0]  }
0x8c: {  	s28 =	sadd.s32 $0x2, s28;
	s6 =	sadd.s32 $0x7280, s30;
	s7 =	sor.u32 $0x10, s23;
	v8 =	vld [tilespmem:s2+$0x0];
	v2 =	vadd.f32 v2, v6  }
0x8d: {  	p3 =	slt.u32 s28, $0x26;
	s2 =	sor.u32 s23, s6;
	s6 =	sor.u32 s7, s6;
	v1 =	vadd.f32 v3, v1;
	v3 =	vld [tilespmem:s5+$0x0]  }
0x8e: {  	v6 =	vld [tilespmem:s6+$0x0];
	v2 =	vadd.f32 v4, v2  }
0x8f: {  	v4 =	vld [tilespmem:s6+$0x80];
	v1 =	vadd.f32 v5, v1  }
0x90: {  	s5 =	sand.u32 $0x380, s18;
	s18 =	smov.u32 s29;
	v5 =	vld [tilespmem:s2+$0x0];
	v2 =	vadd.f32 v7, v2  }
0x91: {  	s5 =	sor.u32 s19, s5;
	s19 =	smov.u32 s7;
	v7 =	vld [tilespmem:s6+$0x100];
	v1 =	vadd.f32 v8, v1  }
0x92: {  	v8 =	vld [tilespmem:s2+$0x80];
	[tilespmem:s5+$0x9A80] =	vst v2  }
0x93: {  	v2 =	vld [tilespmem:s6+$0x180];
	v1 =	vadd.f32 v3, v1  }
0x94: {  	s24 =	sadd.s32 $0x20, s24;
	v3 =	vld [tilespmem:s2+$0x100];
	v4 =	vadd.f32 v4, v6  }
0x95: {  	v6 =	vld [tilespmem:s6+$0x200];
	[tilespmem:s24+$0x0] =	vst v1  }
0x96: {  	v1 =	vld [tilespmem:s2+$0x180];
	v4 =	vadd.f32 v7, v4  }
0x97: {  	v5 =	vadd.f32 v8, v5;
	v7 =	vld [tilespmem:s6+$0x280]  }
0x98: {  	v8 =	vld [tilespmem:s2+$0x200];
	v2 =	vadd.f32 v2, v4  }
0x99: {  	v3 =	vadd.f32 v3, v5;
	v4 =	vld [tilespmem:s6+$0x300]  }
0x9a: {  	v5 =	vld [tilespmem:s2+$0x280];
	v2 =	vadd.f32 v6, v2  }
0x9b: {  	s5 =	sadd.s32 $0x8680, s30;
	v1 =	vadd.f32 v1, v3;
	v3 =	vld [tilespmem:s6+$0x380]  }
0x9c: {  	s6 =	sor.u32 s23, s5;
	s5 =	sor.u32 s19, s5;
	v6 =	vld [tilespmem:s2+$0x300];
	v2 =	vadd.f32 v7, v2  }
0x9d: {  	s7 =	sadd.s32 $0x8700, s30;
	v1 =	vadd.f32 v8, v1;
	v7 =	vld [tilespmem:s5+$0x0]  }
0x9e: {  	s5 =	sor.u32 s19, s7;
	v8 =	vld [tilespmem:s2+$0x380];
	s2 =	sor.u32 s23, s7;
	v2 =	vadd.f32 v4, v2  }
0x9f: {  	s7 =	sadd.s32 $0x8780, s30;
	v1 =	vadd.f32 v5, v1;
	v4 =	vld [tilespmem:s5+$0x0]  }
0xa0: {  	s5 =	sor.u32 s23, s7;
	v5 =	vld [tilespmem:s6+$0x0];
	v2 =	vadd.f32 v3, v2;
	s6 =	sor.u32 s19, s7  }
0xa1: {  	s7 =	sadd.s32 $0x8800, s30;
	v1 =	vadd.f32 v6, v1;
	v3 =	vld [tilespmem:s6+$0x0]  }
0xa2: {  	s6 =	sor.u32 s19, s7;
	v6 =	vld [tilespmem:s2+$0x0];
	s2 =	sor.u32 s23, s7;
	v2 =	vadd.f32 v7, v2  }
0xa3: {  	s7 =	sadd.s32 $0x8880, s30;
	v1 =	vadd.f32 v8, v1;
	v7 =	vld [tilespmem:s6+$0x0]  }
0xa4: {  	s6 =	sor.u32 s19, s7;
	v8 =	vld [tilespmem:s5+$0x0];
	s5 =	sor.u32 s23, s7;
	v2 =	vadd.f32 v4, v2  }
0xa5: {  	s7 =	sadd.s32 $0x8900, s30;
	v4 =	vadd.f32 v5, v1;
	v9 =	vld [tilespmem:s6+$0x0]  }
.Ltmp2:
0xa6: {  	s6 =	sor.u32 s23, s7;
	v1 =	vld [tilespmem:s2+$0x0];
	v5 =	vadd.f32 v3, v2;
	s2 =	sor.u32 s19, s7;
	(pc) =	sbr.rel @p3 .LBB2_6-.Ltmp2, $4  }
0xa7: {  	s7 =	sadd.s32 $0x8980, s30;
	v4 =	vadd.f32 v6, v4;
	v2 =	vld [tilespmem:s2+$0x0]  }
0xa8: {  	s2 =	sor.u32 s23, s7;
	s7 =	sor.u32 s19, s7;
	v3 =	vld [tilespmem:s5+$0x0];
	v6 =	vadd.f32 v7, v5  }
0xa9: {  	s5 =	sadd.s32 $0x8A00, s30;
	v7 =	vadd.f32 v8, v4;
	v4 =	vld [tilespmem:s7+$0x0]  }
0xaa: {  	s26 =	sadd.s32 $0x100, s26;
	s29 =	sadd.s32 $0x20, s29;
	v5 =	vld [tilespmem:s6+$0x0];
	v6 =	vadd.f32 v9, v6;
	s6 =	sor.u32 s19, s5  }
0xab: {  	v1 =	vadd.f32 v1, v7  }
0xac: {  	v7 =	vld [tilespmem:s2+$0x0]  }
0xad: {  	s7 =	sor.u32 s23, s5;
	v8 =	vld [tilespmem:s6+$0x0];
	v1 =	vadd.f32 v3, v1  }
0xae: {  	v2 =	vadd.f32 v2, v6;
	v3 =	vld [tilespmem:s7+$0x0]  }
0xaf: {  	v1 =	vadd.f32 v5, v1  }
0xb0: {  	v2 =	vadd.f32 v4, v2  }
0xb1: {  	v1 =	vadd.f32 v7, v1  }
0xb2: {  	s8 =	sand.u32 $0x380, s18;
	v2 =	vadd.f32 v8, v2  }
0xb3: {  	s2 =	sor.u32 s19, s8;
	v1 =	vadd.f32 v3, v1  }
0xb4: {  	s9 =	sadd.s32 $0x20, s24;
	[tilespmem:s2+$0x9A80] =	vst v2  }
0xb5: {  	s10 =	simm.s32 $0x9A80;
	[tilespmem:s9+$0x0] =	vst v1  }
0xb6: {  	[spmem:s11] =	stream.linear.scatter [tilespmem:s10], [sflag:$0x5], $0x280, $0x38;
	[tilespmem:$0x18B80] =	vst v63  }
0xb7: {  	_ =	swait.ge [sflag:s25], $0x280  }
0xb8: {  	[sflag:s25] =	ssyncset.done $0x0  }
0xb9: {  	[sflag:s25] =	ssyncadd.s32 $0xFFFFFD80  }
0xba: {  	[bflag:$0x0] =	sbarrier.arrive $0xFFFF  }
0xbb: {  	s18 =	simm.s32 $0x2000;
	s19 =	rddreg [dreg:$0x4]  }
0xbc: {  	[tilespmem:s18], [sflag:$0x5] =	stream.linear.gather [spmem:s19], $0x2800, $0x38;
	[tilespmem:$0x18B80] =	vst v63  }
0xbd: {  	_ =	swait.ge [sflag:s25], $0x2800  }
0xbe: {  	[sflag:s25] =	ssyncset.done $0x0  }
0xbf: {  	[sflag:s25] =	ssyncadd.s32 $0xFFFFD800  }
0xc0: {  	s23 =	simm.s32 $0x0;
	_ =	swait.ge [sflag:s31], $0x5000  }
0xc1: {  	s24 =	sand.u32 $0x40, s23;
	s7 =	sand.u32 $0x7F00, s23;
	[sflag:s31] =	ssyncset.done $0x0  }
0xc2: {  	s26 =	sor.u32 $0x30, s24;
	s7 =	sadd.s32 $0x9D00, s7;
	[sflag:s31] =	ssyncadd.s32 $0xFFFFB000  }
0xc3: {  	s30 =	sor.u32 s26, s7;
	v3 =	vld [tilespmem:s18+$0x0]  }
0xc4: {  	v2 =	vld [tilespmem:s30+$0x0]  }
0xc5: {  	s5 =	sand.u32 $0x3F80, s23;
	s8 =	sor.u32 s24, s7;
	v4 =	vld [tilespmem:s30+$0x80]  }
0xc6: {  	s2 =	sor.u32 s5, s26;
	v5 =	vld [tilespmem:s8+$0x0]  }
0xc7: {  	s9 =	sor.u32 $0x10, s24;
	v6 =	vld [tilespmem:s2+$0x2000]  }
0xc8: {  	s10 =	sor.u32 s9, s7;
	v7 =	vld [tilespmem:s8+$0x80]  }
0xc9: {  	s6 =	sor.u32 $0x20, s24;
	v8 =	vld [tilespmem:s10+$0x0]  }
0xca: {  	s7 =	sor.u32 s6, s7;
	v9 =	vld [tilespmem:s10+$0x80]  }
0xcb: {  	v10 =	vld [tilespmem:s7+$0x0]  }
0xcc: {  	s23 =	simm.s32 $0x80;
	s24 =	simm.s32 $0x40;
	s28 =	sor.u32 s5, s9;
	v11 =	vld [tilespmem:s7+$0x80]  }
0xcd: {  	s5 =	sor.u32 s5, s6;
	s6 =	sand.u32 $0x40, s24;
	s7 =	sand.u32 $0x7F00, s23;
	v12 =	vld [tilespmem:s28+$0x2000]  }
0xce: {  	s26 =	simm.s32 $0x2040;
	s30 =	sor.u32 $0x30, s6;
	v13 =	vld [tilespmem:s5+$0x2000];
	s7 =	sadd.s32 $0x9D00, s7  }
0xcf: {  	v1 =	vld [tilespmem:s26+$0x0];
	s8 =	sor.u32 s30, s7  }
0xd0: {  	v14 =	vld [tilespmem:s8+$0x0]  }
0xd1: {  	s29 =	sand.u32 $0x3F80, s24;
	s26 =	sor.u32 s6, s7;
	v15 =	vld [tilespmem:s8+$0x80];
	v4 =	vadd.f32 v4, v2  }
0xd2: {  	s24 =	sor.u32 s29, s30;
	v5 =	vadd.f32 v7, v5;
	v2 =	vld [tilespmem:s26+$0x0]  }
0xd3: {  	s9 =	sor.u32 $0x10, s6;
	v4 =	vadd.f32 v6, v4;
	v6 =	vadd.f32 v9, v8;
	v8 =	vld [tilespmem:s24+$0x2000]  }
0xd4: {  	s10 =	sor.u32 s9, s7;
	v7 =	vadd.f32 v3, v5;
	v9 =	vadd.f32 v11, v10;
	v5 =	vld [tilespmem:s26+$0x80]  }
0xd5: {  	s18 =	simm.s32 $0xED00;
	s30 =	sor.u32 $0x20, s6;
	v3 =	vld [tilespmem:s10+$0x0];
	[tilespmem:s2+$0xED00] =	vst v4;
	v4 =	vadd.f32 v12, v6  }
0xd6: {  	s6 =	sor.u32 s30, s7;
	[tilespmem:s18+$0x0] =	vst v7;
	v6 =	vadd.f32 v13, v9;
	v9 =	vadd.f32 v15, v14;
	v7 =	vld [tilespmem:s10+$0x80]  }
0xd7: {  	s19 =	sor.u32 s29, s9;
	s23 =	sor.u32 s29, s30;
	s29 =	simm.s32 $0x2080;
	[tilespmem:s28+$0xED00] =	vst v4;
	v4 =	vld [tilespmem:s6+$0x0]  }
0xd8: {  	s26 =	simm.s32 $0x4;
	s2 =	simm.s32 $0x80;
	[tilespmem:s5+$0xED00] =	vst v6;
	v6 =	vld [tilespmem:s6+$0x80];
	s28 =	simm.s32 $0x100;
	v8 =	vadd.f32 v8, v9  }
.LBB2_8:
0xd9: {  	s5 =	sand.u32 $0x40, s2;
	s6 =	sand.u32 $0x7F00, s28;
	v2 =	vadd.f32 v5, v2;
	v5 =	vld [tilespmem:s19+$0x2000];
	s18 =	sadd.s32 $0x40, s18  }
0xda: {  	s26 =	sadd.s32 $0x4, s26;
	s6 =	sadd.s32 $0x9D00, s6;
	s7 =	sor.u32 $0x30, s5;
	v9 =	vld [tilespmem:s23+$0x2000];
	[tilespmem:s24+$0xED00] =	vst v8  }
0xdb: {  	s24 =	sor.u32 $0x10, s5;
	p3 =	slt.u32 s26, $0x27C;
	s30 =	sor.u32 s7, s6;
	v2 =	vadd.f32 v1, v2;
	v1 =	vld [tilespmem:s29+$0x0];
	v3 =	vadd.f32 v7, v3  }
0xdc: {  	s8 =	sor.u32 s5, s6;
	s9 =	sor.u32 s24, s6;
	s5 =	sor.u32 $0x20, s5;
	v8 =	vld [tilespmem:s30+$0x0]  }
0xdd: {  	s10 =	sand.u32 $0x3F80, s2;
	s6 =	sor.u32 s5, s6;
	v10 =	vld [tilespmem:s30+$0x80];
	[tilespmem:s18+$0x0] =	vst v2;
	v4 =	vadd.f32 v6, v4  }
0xde: {  	s5 =	sor.u32 s10, s5;
	s30 =	sor.u32 s10, s24;
	s24 =	sor.u32 s10, s7;
	v2 =	vld [tilespmem:s8+$0x0];
	v3 =	vadd.f32 v5, v3  }
0xdf: {  	v11 =	vld [tilespmem:s24+$0x2000];
	v4 =	vadd.f32 v9, v4  }
.Ltmp3:
0xe0: {  	v5 =	vld [tilespmem:s8+$0x80];
	[tilespmem:s19+$0xED00] =	vst v3;
	s19 =	smov.u32 s30;
	(pc) =	sbr.rel @p3 .LBB2_8-.Ltmp3, $4  }
0xe1: {  	v3 =	vld [tilespmem:s9+$0x0];
	[tilespmem:s23+$0xED00] =	vst v4;
	s23 =	smov.u32 s5  }
0xe2: {  	v7 =	vld [tilespmem:s9+$0x80];
	v8 =	vadd.f32 v10, v8  }
0xe3: {  	v4 =	vld [tilespmem:s6+$0x0]  }
0xe4: {  	s28 =	sadd.s32 $0x80, s28;
	s2 =	sadd.s32 $0x40, s2;
	s29 =	sadd.s32 $0x40, s29;
	v6 =	vld [tilespmem:s6+$0x80];
	v8 =	vadd.f32 v11, v8  }
0xe5: {  	v9 =	vld [tilespmem:s19+$0x2000]  }
0xe6: {  	v10 =	vld [tilespmem:s23+$0x2000]  }
0xe7: {  	v2 =	vadd.f32 v5, v2  }
0xe8: {  	v3 =	vadd.f32 v7, v3  }
0xe9: {  	v1 =	vadd.f32 v1, v2;
	v2 =	vadd.f32 v6, v4  }
0xea: {  	s2 =	sadd.s32 $0x40, s18;
	[tilespmem:s24+$0xED00] =	vst v8;
	v3 =	vadd.f32 v9, v3  }
0xeb: {  	[tilespmem:s2+$0x0] =	vst v1;
	v1 =	vadd.f32 v10, v2  }
0xec: {  	[tilespmem:s19+$0xED00] =	vst v3  }
0xed: {  	[tilespmem:s23+$0xED00] =	vst v1  }
0xee: {  	_ =	swait.ge [sflag:s0], $0x2710  }
0xef: {  	[sflag:s0] =	ssyncset.done $0x0  }
0xf0: {  	s5 =	simm.s32 @!p1 $0x13C80;
	s2 =	simm.s32 @!p1 $0x0;
	[sflag:s0] =	ssyncadd.s32 $0xFFFFD8F0  }
0xf1: {  	[tilespmem:s5], [sflag:$0x5] =	stream.linear.gather @!p1 [hbm4b:s12+s2], $0x2710, $0x38;
	[tilespmem:$0x18B80] =	vst v63  }
0xf2: {  	s2 =	simm.s32 @!p1 $0x5  }
0xf3: {  	_ =	swait.ge @!p1 [sflag:s2], $0x2710  }
0xf4: {  	[sflag:s2] =	ssyncset.done @!p1 $0x0  }
0xf5: {  	s5 =	simm.s32 @!p2 $0x13C80;
	[sflag:s2] =	ssyncadd.s32 @!p1 $0xFFFFD8F0;
	s2 =	simm.s32 @!p2 $0x0  }
0xf6: {  	[tilespmem:s5], [sflag:$0x5] =	stream.linear.gather @!p2 [hbm4b:s13+s2], $0x1770, $0x38;
	[tilespmem:$0x18B80] =	vst v63  }
0xf7: {  	s5 =	simm.s32 @!p2 $0x5  }
0xf8: {  	_ =	swait.ge @!p2 [sflag:s5], $0x1770  }
0xf9: {  	[sflag:s5] =	ssyncset.done @!p2 $0x0  }
0xfa: {  	s6 =	simm.s32 @!p2 $0x153F0;
	[sflag:s5] =	ssyncadd.s32 @!p2 $0xFFFFE890  }
0xfb: {  	[tilespmem:s6], [sflag:$0x5] =	stream.linear.gather @!p2 [hbm4b:s4+s2], $0xFA0, $0x38;
	[tilespmem:$0x18B80] =	vst v63  }
0xfc: {  	_ =	swait.ge @!p2 [sflag:s5], $0xFA0  }
0xfd: {  	[sflag:s5] =	ssyncset.done @!p2 $0x0  }
0xfe: {  	s2 =	simm.s32 @!p0 $0x0;
	[sflag:s5] =	ssyncadd.s32 @!p2 $0xFFFFF060;
	s5 =	simm.s32 @!p0 $0x13C80  }
0xff: {  	[tilespmem:s5], [sflag:$0x5] =	stream.linear.gather @!p0 [hbm4b:s14+s2], $0x2710, $0x38;
	[tilespmem:$0x18B80] =	vst v63  }
0x100: {  	s2 =	simm.s32 @!p0 $0x5  }
0x101: {  	_ =	swait.ge @!p0 [sflag:s2], $0x2710  }
0x102: {  	[sflag:s2] =	ssyncset.done @!p0 $0x0  }
0x103: {  	s26 =	simm.s32 $0x11520;
	[sflag:s2] =	ssyncadd.s32 @!p0 $0xFFFFD8F0  }
0x104: {  	v1 =	vld [tilespmem:s26+$0x10]  }
0x105: {  	v2 =	vld [tilespmem:s26+$0xFFFFFFF0]  }
0x106: {  	v3 =	vld [tilespmem:s26+$0x0];
	_ =	sdelay $0x3  }
0x107: {  	s28 =	simm.s32 $0x11560;
	v4 =	vld [tilespmem:s26+$0xFFFFFFE0]  }
0x108: {  	v5 =	vld [tilespmem:s28+$0x10]  }
0x109: {  	v1 =	vld.idx.msk [tilespmem:v1+s1+$0x0], $0xffff  }
0x10a: {  	v2 =	vld.idx.msk [tilespmem:v2+s1+$0x0], $0xffff  }
0x10b: {  	v3 =	vld.idx.msk [tilespmem:v3+s1+$0x0], $0xffff  }
0x10c: {  	v6 =	vld [tilespmem:s28+$0xFFFFFFF0]  }
0x10d: {  	v7 =	vld [tilespmem:s28+$0x0]  }
0x10e: {  	v8 =	vld [tilespmem:s28+$0xFFFFFFE0];
	(erf) = vrcp.f32 v1  }
0x10f: {  	(erf) = vrcp.f32 v2  }
0x110: {  	s29 =	simm.s32 $0x13CA0;
	v4 =	vld.idx.msk [tilespmem:v4+s1+$0x0], $0xffff;
	(erf) = vrcp.f32 v3  }
0x111: {  	v9 =	vld [tilespmem:s29+$0x10]  }
0x112: {  	s30 =	simm.s32 $0x115A0;
	v1 =	vld.idx.msk [tilespmem:v5+s1+$0x0], $0xffff  }
0x113: {  	v5 =	vld [tilespmem:s30+$0x10]  }
0x114: {  	v2 =	vld.idx.msk [tilespmem:v6+s1+$0x0], $0xffff  }
0x115: {  	v3 =	vld.idx.msk [tilespmem:v7+s1+$0x0], $0xffff;
	(erf) = vrcp.f32 v4  }
0x116: {  	v4 =	vld.idx.msk [tilespmem:v8+s1+$0x0], $0xffff  }
0x117: {  	v8 =	vld [tilespmem:s30+$0xFFFFFFE0];
	v11 =	vpop (erf)  }
0x118: {  	v6 =	vld [tilespmem:s30+$0xFFFFFFF0];
	(erf) = vrcp.f32 v1;
	v13 =	vpop (erf)  }
0x119: {  	v7 =	vld [tilespmem:s30+$0x0];
	v15 =	vpop (erf);
	(erf) = vrcp.f32 v2  }
0x11a: {  	v10 =	vld [tilespmem:s29+$0xFFFFFFE0];
	(erf) = vrcp.f32 v3  }
0x11b: {  	v12 =	vld [tilespmem:s29+$0xFFFFFFF0];
	(erf) = vrcp.f32 v4  }
0x11c: {  	s18 =	simm.s32 $0x13CE0;
	v14 =	vld [tilespmem:s29+$0x0]  }
0x11d: {  	v1 =	vld [tilespmem:s18+$0x10]  }
0x11e: {  	v9 =	vmul.f32 v11, v9;
	v2 =	vld.idx.msk [tilespmem:v5+s1+$0x0], $0xffff;
	v11 =	vpop (erf)  }
0x11f: {  	s19 =	simm.s32 $0x16420;
	v5 =	vld.idx.msk [tilespmem:v8+s1+$0x0], $0xffff;
	v10 =	vmul.f32 v11, v10  }
0x120: {  	v3 =	vld.idx.msk [tilespmem:v6+s1+$0x0], $0xffff;
	[tilespmem:s19+$0x10] =	vst v9;
	v6 =	vmul.f32 v13, v12  }
0x121: {  	s23 =	simm.s32 $0x115E0;
	s2 =	simm.s32 $0x8;
	v4 =	vld.idx.msk [tilespmem:v7+s1+$0x0], $0xffff;
	v7 =	vmul.f32 v15, v14;
	v8 =	vpop (erf);
	[tilespmem:s19+$0xFFFFFFE0] =	vst v10  }
.LBB2_10:
0x122: {  	v9 =	vld [tilespmem:s23+$0x10];
	s2 =	sadd.s32 $0x4, s2;
	v1 =	vmul.f32 v8, v1;
	v8 =	vpop (erf);
	[tilespmem:s19+$0xFFFFFFF0] =	vst v6  }
0x123: {  	v6 =	vld [tilespmem:s23+$0xFFFFFFF0];
	p3 =	slt.u32 s2, $0x26C;
	v10 =	vpop (erf);
	[tilespmem:s19+$0x0] =	vst v7;
	s19 =	sadd.s32 $0x40, s19  }
0x124: {  	v7 =	vld [tilespmem:s23+$0x0];
	(erf) = vrcp.f32 v2;
	[tilespmem:s19+$0x10] =	vst v1;
	v11 =	vpop (erf)  }
0x125: {  	v12 =	vld [tilespmem:s23+$0xFFFFFFE0];
	(erf) = vrcp.f32 v3  }
0x126: {  	(erf) = vrcp.f32 v4;
	v4 =	vld [tilespmem:s18+$0xFFFFFFE0]  }
0x127: {  	(erf) = vrcp.f32 v5;
	v5 =	vld [tilespmem:s18+$0xFFFFFFF0]  }
0x128: {  	v13 =	vld [tilespmem:s18+$0x0];
	s18 =	sadd.s32 $0x40, s18  }
.Ltmp4:
0x129: {  	v1 =	vld [tilespmem:s18+$0x10];
	(pc) =	sbr.rel @p3 .LBB2_10-.Ltmp4, $4  }
0x12a: {  	v2 =	vld.idx.msk [tilespmem:v9+s1+$0x0], $0xffff  }
0x12b: {  	v3 =	vld.idx.msk [tilespmem:v6+s1+$0x0], $0xffff;
	v9 =	vmul.f32 v11, v4  }
0x12c: {  	v4 =	vld.idx.msk [tilespmem:v7+s1+$0x0], $0xffff;
	v6 =	vmul.f32 v8, v5  }
0x12d: {  	s23 =	sadd.s32 $0x40, s23;
	v5 =	vld.idx.msk [tilespmem:v12+s1+$0x0], $0xffff;
	v8 =	vpop (erf);
	[tilespmem:s19+$0xFFFFFFE0] =	vst v9;
	v7 =	vmul.f32 v10, v13  }
0x12e: {  	_ = 	snop  }
0x12f: {  	(erf) = vrcp.f32 v2  }
0x130: {  	(erf) = vrcp.f32 v3  }
0x131: {  	(erf) = vrcp.f32 v4  }
0x132: {  	v3 =	vld [tilespmem:s18+$0xFFFFFFF0];
	(erf) = vrcp.f32 v5  }
0x133: {  	v2 =	vld [tilespmem:s18+$0xFFFFFFE0];
	_ =	sdelay $0x1  }
0x134: {  	v57 =	vpop (erf);
	v58 =	vld [tilespmem:s18+$0x0];
	s2 =	sadd.s32 $0x40, s18;
	v1 =	vmul.f32 v8, v1  }
0x135: {  	s5 =	sadd.s32 $0x40, s19;
	v9 =	vpop (erf);
	v10 =	vld [tilespmem:s2+$0x10]  }
0x136: {  	v59 =	vld [tilespmem:s2+$0xFFFFFFE0];
	v11 =	vpop (erf);
	[tilespmem:s5+$0x10] =	vst v1;
	v1 =	vmul.f32 v57, v3  }
0x137: {  	[tilespmem:s19+$0xFFFFFFF0] =	vst v6;
	v61 =	vld [tilespmem:s2+$0xFFFFFFF0];
	v2 =	vmul.f32 v11, v2;
	v60 =	vpop (erf)  }
0x138: {  	[tilespmem:s19+$0x0] =	vst v7;
	v62 =	vld [tilespmem:s2+$0x0];
	v3 =	vpop (erf)  }
0x139: {  	[tilespmem:s5+$0xFFFFFFE0] =	vst v2;
	v2 =	vmul.f32 v9, v58;
	v63 =	vpop (erf)  }
0x13a: {  	[tilespmem:s5+$0xFFFFFFF0] =	vst v1;
	v7 =	vmul.f32 v60, v10;
	v1 =	vpop (erf)  }
0x13b: {  	s29 =	sadd.s32 $0x40, s5;
	[tilespmem:s5+$0x0] =	vst v2;
	v1 =	vmul.f32 v1, v59  }
0x13c: {  	v2 =	vmul.f32 v3, v61;
	[tilespmem:s29+$0x10] =	vst v7  }
0x13d: {  	[tilespmem:s29+$0xFFFFFFE0] =	vst v1;
	v1 =	vmul.f32 v63, v62  }
0x13e: {  	[tilespmem:s29+$0xFFFFFFF0] =	vst v2  }
0x13f: {  	[tilespmem:s29+$0x0] =	vst v1  }
0x140: {  	v1 =	vld [tilespmem:$0x13C00];
	_ =	sdelay $0x7  }
0x141: {  	v1 =	vld.idx.msk [tilespmem:v1+s1+$0x0], $0xffff;
	_ =	sdelay $0x4  }
0x142: {  	(erf) = vrcp.f32 v1;
	_ =	sdelay $0x4  }
0x143: {  	v1 =	vld [tilespmem:$0x16380];
	_ =	sdelay $0x3  }
0x144: {  	v2 =	vpop (erf)  }
0x145: {  	s17 =	sadd.s32 $0x1, s17;
	v1 =	vmul.f32 v2, v1  }
0x146: {  	p3 =	sne.s32 s17, s16  }
.Ltmp5:
0x147: {  	s30 =	simm.s32 $0x16400;
	[tilespmem:$0x18B00] =	vst v1;
	(pc) =	sbr.rel @p3 .LBB2_1-.Ltmp5, $4  }
0x148: {  	[hbm4b:s15+s3] =	stream.linear.scatter [tilespmem:s30], [sflag:$0x5], $0x2710, $0x38;
	[tilespmem:$0x18B80] =	vst v63  }
0x149: {  	_ =	swait.ge [sflag:s25], $0x2710  }
0x14a: {  	[sflag:s25] =	ssyncset.done $0x0  }
0x14b: {  	[sflag:s25] =	ssyncadd.s32 $0xFFFFD8F0  }
0x14c: {  	_ =	sfence.sel $0x180000  }
0x14d: {  	[bflag:$0x0] =	sbarrier.arrive $0xFFFF  }
0x14e: {  	_ =	strace $0x9000004A  }
0x14f: {  	s0 =	stileid.u32;
	[bflag:$0x2] =	sbarrier.arrive $0xFFFF  }
0x150: {  	p0 =	sne.s32 s0, $0x0;
	s0 =	rddreg [dreg:$0x5]  }
0x151: {  	s0 =	sadd.s32 @!p0 $0x100000, s0  }
0x152: {  	[sflag:s0] =	ssyncadd.tile.s32 @!p0 $0x1;
	_ =	shalt  }
.Lfunc_end2:
_tile_overlayer_lowered:
.L_overlay_start_2:
0x153: {  	(tag) =	ssettag $0x2  }
0x154: {  	s0 =	rddreg [dreg:$0x0];
	s2 =	stileid.u32  }
0x155: {  	s1 =	rddreg [dreg:$0x1];
	p0 =	sne.s32 s2, $0x0  }
0x156: {  	s3 =	rddreg [dreg:$0x2];
	[bflag:$0x3] =	sbarrier.arrive $0xFFFF;
	s2 =	simm.s32 @!p0 $0x1C05  }
0x157: {  	[timem:s3], [sflag:s2] =	dma.local @!p0 [hbm:s0], s1  }
0x158: {  	s0 =	simm.s32 @!p0 $0x5  }
0x159: {  	_ =	swait.ge @!p0 [sflag:s0], s1  }
0x15a: {  	s1 =	ssub.s32 @!p0 $0x0, s1;
	[sflag:s0] =	ssyncset.done @!p0 $0x0  }
0x15b: {  	[sflag:s0] =	ssyncadd.s32 @!p0 s1  }
0x15c: {  	[bflag:$0x3] =	sbarrier.arrive $0xFFFF  }
0x15d: {  	_ =	shalt  }

</sc_bundles>
